<compile_context>
chip_gen: v7x
topology: tpu7x:2x2x1
jax: 0.10.2.dev20260603
libtpu: 0.0.44.dev20260713+nightly
codegen_flags: <defaults>
</compile_context>

<pallas_src>
import functools

import jax
import jax.numpy as jnp
from jax import lax
from jax.experimental import pallas as pl
from jax.experimental.pallas import tpu as pltpu
from jax.experimental.pallas import tpu_sc as plsc

VOCAB = 1_000_000
D_MODEL = 128
C0 = 20_000
C1 = 40_000
N_TOK = 4096 * 50
NC, NS, L = 2, 16, 16
NW = NC * NS
TPW = N_TOK // NW
G = 128
NGRP = TPW // G
NCGRP = TPW // G + 1

_SC_MESH = plsc.VectorSubcoreMesh(
    core_axis_name="c", subcore_axis_name="s", num_cores=NC, num_subcores=NS
)


@functools.partial(
    pl.kernel,
    out_type=jax.ShapeDtypeStruct((N_TOK, 8), jnp.float32),
    mesh=_SC_MESH,
    scratch_types=[
        pltpu.VMEM((TPW,), jnp.int32),
        pltpu.VMEM((NGRP, G), jnp.int32),
        pltpu.VMEM((TPW, 8), jnp.float32),
        pltpu.SemaphoreType.DMA,
        pltpu.SemaphoreType.DMA,
    ],
    compiler_params=pltpu.CompilerParams(use_tc_tiling_on_sc=False, needs_layout_passes=False),
)
def _sc_gather_e2(x_hbm, emb2_hbm, e2buf_hbm, xv, idxv, rows, sem, osem):
    wid = lax.axis_index("s") * NC + lax.axis_index("c")
    base = wid * TPW
    pltpu.sync_copy(x_hbm.at[pl.ds(base, TPW)], xv)

    lanes = lax.iota(jnp.int32, L)
    qbase = 16 * (lanes % 8) + lanes // 8

    @pl.loop(0, TPW // L)
    def _(g):
        xs = xv[pl.ds(g * L, L)]
        grp = jnp.full((L,), g // (G // L), jnp.int32)
        q = qbase + 2 * (g % (G // L))
        plsc.store_scatter(idxv, [grp, q], jnp.clip(xs - C1, 0, VOCAB - C1 - 1))

    @pl.loop(0, NGRP)
    def _(j):
        pltpu.async_copy(emb2_hbm.at[idxv.at[j]], rows.at[pl.ds(j * G, G)], sem)

    @pl.loop(0, NGRP)
    def _(j):
        pltpu.make_async_copy(
            emb2_hbm.at[idxv.at[j]], rows.at[pl.ds(j * G, G)], sem
        ).wait()
        pltpu.async_copy(
            rows.at[pl.ds(j * G, G)], e2buf_hbm.at[pl.ds(base + j * G, G)], osem
        )

    @pl.loop(0, NGRP)
    def _(j):
        pltpu.make_async_copy(
            rows.at[pl.ds(j * G, G)], e2buf_hbm.at[pl.ds(base + j * G, G)], osem
        ).wait()


_PT = 25
_NSLAB = 7500 // _PT


@functools.partial(
    pl.kernel,
    out_type=jax.ShapeDtypeStruct((VOCAB - C1, 8), jnp.float32),
    mesh=_SC_MESH,
    scratch_types=[
        pltpu.VMEM((2, 8 * _PT, 128), jnp.float32),
        pltpu.VMEM((2, 128 * _PT, 8), jnp.float32),
        pltpu.SemaphoreType.DMA,
        pltpu.SemaphoreType.DMA,
    ],
    compiler_params=pltpu.CompilerParams(use_tc_tiling_on_sc=False, needs_layout_passes=False),
)
def _sc_pack_e2(v_hbm, o_hbm, vin, vout, isem, osem):
    wid = lax.axis_index("s") * NC + lax.axis_index("c")
    nmy = (_NSLAB - 1 - wid) // NW + 1
    lanes = lax.iota(jnp.int32, L)

    def _src(i):
        return v_hbm.at[pl.ds((wid + i * NW) * 8 * _PT, 8 * _PT)]

    def _dst(i):
        return o_hbm.at[pl.ds((wid + i * NW) * 128 * _PT, 128 * _PT)]

    pltpu.async_copy(_src(0), vin.at[0], isem)

    def _shuffle(vin_b, vout_b):
        @pl.loop(0, _PT)
        def _(t):
            @pl.loop(0, 64)
            def _(u):
                k, m = u // 8, u % 8
                val = vin_b[t * 8 + k, pl.ds(m * 16, L)]
                plsc.store_scatter(
                    vout_b,
                    [t * 128 + m * 16 + lanes, jnp.full((L,), k, jnp.int32)],
                    val,
                )

    def _slab(i, carry):
        b = lax.rem(i, 2)
        pltpu.make_async_copy(_src(i), vin.at[b], isem).wait()

        @pl.when(i + 1 < nmy)
        def _():
            pltpu.async_copy(_src(i + 1), vin.at[1 - b], isem)

        @pl.when(i >= 2)
        def _():
            pltpu.make_async_copy(vout.at[b], _dst(i - 2), osem).wait()

        @pl.when(b == 0)
        def _():
            _shuffle(vin.at[0], vout.at[0])

        @pl.when(b == 1)
        def _():
            _shuffle(vin.at[1], vout.at[1])

        pltpu.async_copy(vout.at[b], _dst(i), osem)
        return carry

    lax.fori_loop(0, nmy, _slab, jnp.int32(0))
    pltpu.make_async_copy(vout.at[lax.rem(nmy, 2)], _dst(nmy - 2), osem).wait()
    pltpu.make_async_copy(vout.at[lax.rem(nmy - 1, 2)], _dst(nmy - 1), osem).wait()


_TROWS = 400


def _build_t_body(emb0_ref, emb1_ref, w1_ref, t_ref):
    g = pl.program_id(0)

    @pl.when(g < 50)
    def _():
        t_ref[...] = emb0_ref[...]

    @pl.when(g >= 50)
    def _():
        t_ref[...] = jnp.dot(
            emb1_ref[...],
            w1_ref[...],
            preferred_element_type=jnp.float32,
            precision=lax.Precision.HIGHEST,
        )


def _build_t(emb0, emb1, W1):
    return pl.pallas_call(
        _build_t_body,
        grid=(100,),
        in_specs=[
            pl.BlockSpec((_TROWS, 128), lambda g: (jnp.minimum(g, 49), 0)),
            pl.BlockSpec((_TROWS, 32), lambda g: (jnp.maximum(g - 50, 0), 0)),
            pl.BlockSpec((32, 128), lambda g: (0, 0)),
        ],
        out_specs=pl.BlockSpec((_TROWS, 128), lambda g: (g, 0)),
        out_shape=jax.ShapeDtypeStruct((C1, 128), jnp.float32),
    )(emb0, emb1, W1)


_MROWS = 512


def _mm_body(p_ref, b_ref, o_ref):
    o_ref[...] = jnp.dot(
        p_ref[...],
        b_ref[...],
        preferred_element_type=jnp.float32,
        precision=lax.Precision.HIGHEST,
    )


def _mm_e2(e2packed, Bmat):
    return pl.pallas_call(
        _mm_body,
        grid=(N_TOK // 16 // _MROWS,),
        in_specs=[
            pl.BlockSpec((_MROWS, 128), lambda g: (g, 0)),
            pl.BlockSpec((128, 2048), lambda g: (0, 0)),
        ],
        out_specs=pl.BlockSpec((_MROWS, 2048), lambda g: (g, 0)),
        out_shape=jax.ShapeDtypeStruct((N_TOK // 16, 2048), jnp.float32),
    )(e2packed, Bmat)


@functools.partial(
    pl.kernel,
    out_type=(),
    mesh=_SC_MESH,
    scratch_types=[
        pltpu.VMEM((TPW,), jnp.int32),
        pltpu.VMEM((NCGRP, G), jnp.int32),
        pltpu.VMEM((NCGRP, G), jnp.int32),
        pltpu.VMEM((G, 128), jnp.float32),
        pltpu.SemaphoreType.DMA,
        pltpu.SemaphoreType.DMA,
    ],
    compiler_params=pltpu.CompilerParams(use_tc_tiling_on_sc=False, needs_layout_passes=False),
)
def _sc_scatter_t(x_hbm, t_hbm, out_hbm, xv, srcc, dstc, rows, gsem, ssem):
    wid = lax.axis_index("s") * NC + lax.axis_index("c")
    base = wid * TPW
    pltpu.sync_copy(x_hbm.at[pl.ds(base, TPW)], xv)

    def _compact(g, cnt):
        xs = xv[pl.ds(g * L, L)]
        m = xs < C1
        mi = jnp.where(m, 1, 0).astype(jnp.int32)
        pos = cnt + plsc.cumsum(mi) - 1
        src = jnp.minimum(xs, C1 - 1)
        dst = base + g * L + lax.iota(jnp.int32, L)
        plsc.store_scatter(srcc, [pos // G, pos % G], src, mask=m)
        plsc.store_scatter(dstc, [pos // G, pos % G], dst, mask=m)
        return cnt + jnp.sum(mi)

    n = lax.fori_loop(0, TPW // L, _compact, jnp.int32(0))

    lastp = jnp.maximum(n - 1, 0)
    lrow = jnp.full((L,), lastp // G, jnp.int32)
    lcol = jnp.full((L,), lastp % G, jnp.int32)
    lastsrc = plsc.load_gather(srcc, [lrow, lcol])
    lastdst = plsc.load_gather(dstc, [lrow, lcol])

    @pl.loop(0, G // L)
    def _(k):
        p = n + k * L + lax.iota(jnp.int32, L)
        plsc.store_scatter(srcc, [p // G, p % G], lastsrc)
        plsc.store_scatter(dstc, [p // G, p % G], lastdst)

    nsg = (n + G - 1) // G

    def _dma(j, carry):
        pltpu.async_copy(t_hbm.at[srcc.at[j]], rows, gsem)
        pltpu.make_async_copy(t_hbm.at[srcc.at[j]], rows, gsem).wait()
        pltpu.async_copy(rows, out_hbm.at[dstc.at[j]], ssem)
        pltpu.make_async_copy(rows, out_hbm.at[dstc.at[j]], ssem).wait()
        return carry

    lax.fori_loop(0, nsg, _dma, jnp.int32(0))


def kernel(x, emb0, emb1, emb2, W1, W2):
    b, s = x.shape
    xp = x.T.reshape(-1)
    v = emb2.reshape(7500, 128, 8).transpose(0, 2, 1).reshape(60000, 128)
    e2lin = _sc_pack_e2(v)
    e2buf = _sc_gather_e2(xp, e2lin)
    t = _build_t(emb0, emb1, W1)
    Bmat = (
        jnp.eye(16, dtype=jnp.float32)[:, None, :, None] * W2[None, :, None, :]
    ).reshape(128, 2048)
    out0 = (
        _mm_e2(e2buf.reshape(N_TOK // 16, 128), Bmat)
        .reshape(N_TOK // 128, 8, 16, 128)
        .transpose(0, 2, 1, 3)
        .reshape(N_TOK, D_MODEL)
    )
    out_ref = jax.new_ref(out0)
    _sc_scatter_t(xp, t, out_ref)
    return out_ref[...].reshape(s, b, D_MODEL).transpose(1, 0, 2)

# --- scband reference (transcript-rebuilt; emitter-appended) ---
"""Pipeline reference for scband-adaptive-embedding-88029649699674 (READ-ONLY COPY).

The authoritative reference and input builder live on the scoring server;
editing this copy changes nothing except your own understanding.
"""

import jax, jax.numpy as jnp
import numpy as np

# AdaptiveEmbedding config: vocab=1000000, d_model=128, cutoffs=[20000,40000,1000000], div_val=4.0
# cluster dims: [128, 128//4.0=32, 128//16.0=8]
VOCAB = 1000000
D_MODEL = 128
CUTOFFS = [20000, 40000, 1000000]
DIMS = [128, 32, 8]
B, S = 4096, 50


def setup_inputs(seed: int = 0) -> dict:
    key = jax.random.key(seed)
    ks = jax.random.split(key, 8)
    x = jax.random.randint(ks[0], (B, S), 0, VOCAB, dtype=jnp.int32)
    emb0 = jax.random.normal(ks[1], (20000, 128), dtype=jnp.float32) * 0.02
    emb0 = emb0.at[0].set(0.0)  # padding_idx=0 row zeroed as in torch init
    emb1 = jax.random.normal(ks[2], (20000, 32), dtype=jnp.float32) * 0.02
    emb2 = jax.random.normal(ks[3], (960000, 8), dtype=jnp.float32) * 0.02
    # nn.Linear(dim, d_model, bias=False); stored here as (dim, d_model) so emb @ W
    W1 = jax.random.normal(ks[4], (32, 128), dtype=jnp.float32) * (1.0 / np.sqrt(32))
    W2 = jax.random.normal(ks[5], (8, 128), dtype=jnp.float32) * (1.0 / np.sqrt(8))
    return {"x": x, "emb0": emb0, "emb1": emb1, "emb2": emb2, "W1": W1, "W2": W2}


def reference(x, emb0, emb1, emb2, W1, W2):
    # output [B, S, d_model]
    out = jnp.zeros((x.shape[0], x.shape[1], D_MODEL), dtype=jnp.float32)
    # cluster 0: ids in [0, 20000), dim 128, Identity projection
    m0 = x < CUTOFFS[0]
    idx0 = jnp.clip(x, 0, 20000 - 1)
    e0 = jnp.take(emb0, idx0, axis=0)
    out = jnp.where(m0[..., None], e0, out)
    # cluster 1: ids in [20000, 40000), dim 32, project to 128
    m1 = (x >= CUTOFFS[0]) & (x < CUTOFFS[1])
    idx1 = jnp.clip(x - CUTOFFS[0], 0, 20000 - 1)
    e1 = jnp.take(emb1, idx1, axis=0) @ W1
    out = jnp.where(m1[..., None], e1, out)
    # cluster 2: ids in [40000, 1000000), dim 8, project to 128
    m2 = (x >= CUTOFFS[1]) & (x < CUTOFFS[2])
    idx2 = jnp.clip(x - CUTOFFS[1], 0, 960000 - 1)
    e2 = jnp.take(emb2, idx2, axis=0) @ W2
    out = jnp.where(m2[..., None], e2, out)
    return out

if __name__ == "__main__":
    import jax
    _d = setup_inputs()
    print(jax.jit(kernel)(*tuple(_d.values())))

</pallas_src>

<mosaic_0001>
#map = affine_map<(d0, d1) -> (0)>
#map1 = affine_map<(d0, d1) -> (0, 0)>
module attributes {stable_mosaic.version = 14 : i64} {
  func.func @new_body(%arg0: i32, %arg1: i32, %arg2: memref<204800xi32, #tpu.memory_space<hbm>>, %arg3: memref<40000x128xf32, #tpu.memory_space<hbm>>, %arg4: memref<204800x128xf32, #tpu.memory_space<hbm>>, %arg5: memref<204800x128xf32, #tpu.memory_space<hbm>>, %arg6: memref<6400xi32, #tpu.memory_space<vmem>>, %arg7: memref<51x128xi32, #tpu.memory_space<vmem>>, %arg8: memref<51x128xi32, #tpu.memory_space<vmem>>, %arg9: memref<128x128xf32, #tpu.memory_space<vmem>>, %arg10: memref<!tpu.dma_semaphore, #tpu.memory_space<semaphore_mem>>, %arg11: memref<!tpu.dma_semaphore, #tpu.memory_space<semaphore_mem>>) attributes {dimension_semantics = [#tpu.dimension_semantics<core_parallel>, #tpu.dimension_semantics<subcore_parallel>], iteration_bounds = array<i64: 2, 16>, scalar_prefetch = 0 : i64, scratch_operands = 6 : i64, tpu.core_type = #tpu.core_type<sc_vector_subcore>, window_params = [{transform_indices = #map}, {transform_indices = #map1}, {transform_indices = #map1}, {transform_indices = #map1}]} {
    %mul3A = arith.constant 2 : i32
    %mul3A_0 = arith.muli %arg1, %mul3A : i32
    %add3A = arith.addi %mul3A_0, %arg0 : i32
    %mul3A_1 = arith.constant 6400 : i32
    %mul3A_2 = arith.muli %add3A, %mul3A_1 : i32
    "tpu.region"() ({
      %run_scoped3A = tpu.sem_alloc : memref<!tpu.dma_semaphore, #tpu.memory_space<semaphore_mem>>
      %dma_start3A = tpu.memref_slice %arg2[%mul3A_2] : memref<204800xi32, #tpu.memory_space<hbm>> -> memref<6400xi32, #tpu.memory_space<hbm>>
      %dma_start3A_86 = tpu.memref_slice %arg2[%mul3A_2] : memref<204800xi32, #tpu.memory_space<hbm>> -> memref<6400xi32, #tpu.memory_space<hbm>>
      tpu.enqueue_dma source(%dma_start3A_86 : memref<6400xi32, #tpu.memory_space<hbm>>) target(%arg6 : memref<6400xi32, #tpu.memory_space<vmem>>) target_semaphore(%run_scoped3A : memref<!tpu.dma_semaphore, #tpu.memory_space<semaphore_mem>>)
      %dma_wait3A = tpu.memref_slice %arg2[%mul3A_2] : memref<204800xi32, #tpu.memory_space<hbm>> -> memref<6400xi32, #tpu.memory_space<hbm>>
      %dma_wait3A_87 = tpu.memref_slice %arg2[%mul3A_2] : memref<204800xi32, #tpu.memory_space<hbm>> -> memref<6400xi32, #tpu.memory_space<hbm>>
      tpu.wait_dma2 semaphore(%run_scoped3A : memref<!tpu.dma_semaphore, #tpu.memory_space<semaphore_mem>>) src(%dma_wait3A_87 : memref<6400xi32, #tpu.memory_space<hbm>>) dst(%arg6 : memref<6400xi32, #tpu.memory_space<vmem>>)
      tpu.yield
    }) : () -> ()
    %scan3A = arith.constant 0 : i32
    %scan3A_3 = arith.constant 0 : i32
    %scan3A_4 = arith.constant 400 : i32
    %scan3A_5 = arith.addi %scan3A_3, %scan3A_4 : i32
    %scan3A_6 = arith.constant 1 : i32
    %scan3A_7 = scf.for %scan3A_86 = %scan3A_3 to %scan3A_5 step %scan3A_6 iter_args(%scan3A_87 = %scan3A) -> (i32)  : i32 {
      %mul3A_88 = arith.constant 16 : i32
      %mul3A_89 = arith.muli %scan3A_86, %mul3A_88 : i32
      %get3A = arith.index_cast %mul3A_89 : i32 to index
      %get3A_90 = tpu.vector_load %arg6[%get3A] {strides = array<i32>} : memref<6400xi32, #tpu.memory_space<vmem>>, vector<16xi32>,
      %lt3A_91 = arith.constant 40000 : i32
      %lt3A_92 = vector.broadcast %lt3A_91 : i32 to vector<16xi32>
      %lt3A_93 = arith.cmpi slt, %get3A_90, %lt3A_92 : vector<16xi32>
      %jit3A_94 = arith.constant 1 : i32
      %jit3A_95 = arith.constant 0 : i32
      %broadcast_in_dim3A_96 = vector.broadcast %jit3A_94 : i32 to vector<16xi32>
      %broadcast_in_dim3A_97 = vector.broadcast %jit3A_95 : i32 to vector<16xi32>
      %select_n3A_98 = arith.select %lt3A_93, %broadcast_in_dim3A_96, %broadcast_in_dim3A_97 : vector<16xi1>, vector<16xi32>
      %broadcast_in_dim3A_99 = arith.constant true
      %broadcast_in_dim3A_100 = vector.broadcast %broadcast_in_dim3A_99 : i1 to vector<16xi1>
      %masked_cumsum3A = tpu.scan <sum>, %select_n3A_98 masked %broadcast_in_dim3A_100 : vector<16xi32>, vector<16xi1> -> vector<16xi32>
      %add3A_101 = vector.broadcast %scan3A_87 : i32 to vector<16xi32>
      %add3A_102 = arith.addi %add3A_101, %masked_cumsum3A : vector<16xi32>
      %sub3A_103 = arith.constant 1 : i32
      %sub3A_104 = vector.broadcast %sub3A_103 : i32 to vector<16xi32>
      %sub3A_105 = arith.subi %add3A_102, %sub3A_104 : vector<16xi32>
      %min3A = arith.constant 39999 : i32
      %min3A_106 = vector.broadcast %min3A : i32 to vector<16xi32>
      %min3A_107 = arith.minsi %get3A_90, %min3A_106 : vector<16xi32>
      %mul3A_108 = arith.constant 16 : i32
      %mul3A_109 = arith.muli %scan3A_86, %mul3A_108 : i32
      %add3A_110 = arith.addi %mul3A_2, %mul3A_109 : i32
      %iota3A = tpu.iota {dimensions = array<i32: 0>} : vector<16xi32>
      %add3A_111 = vector.broadcast %add3A_110 : i32 to vector<16xi32>
      %add3A_112 = arith.addi %add3A_111, %iota3A : vector<16xi32>
      %jit3A_113 = arith.constant 128 : i32
      %div3A_114 = vector.broadcast %jit3A_113 : i32 to vector<16xi32>
      %div3A_115 = arith.divsi %sub3A_105, %div3A_114 : vector<16xi32>
      %sign3A_116 = arith.constant 0 : i32
      %sign3A_117 = vector.broadcast %sign3A_116 : i32 to vector<16xi32>
      %sign3A_118 = arith.cmpi sgt, %sub3A_105, %sign3A_117 : vector<16xi32>
      %sign3A_119 = arith.extui %sign3A_118 : vector<16xi1> to vector<16xi32>
      %sign3A_120 = arith.constant 0 : i32
      %sign3A_121 = vector.broadcast %sign3A_120 : i32 to vector<16xi32>
      %sign3A_122 = arith.cmpi slt, %sub3A_105, %sign3A_121 : vector<16xi32>
      %sign3A_123 = arith.extui %sign3A_122 : vector<16xi1> to vector<16xi32>
      %sign3A_124 = arith.subi %sign3A_119, %sign3A_123 : vector<16xi32>
      %sign3A_125 = arith.constant 0 : i32
      %sign3A_126 = arith.cmpi sgt, %jit3A_113, %sign3A_125 : i32
      %sign3A_127 = arith.extui %sign3A_126 : i1 to i32
      %sign3A_128 = arith.constant 0 : i32
      %sign3A_129 = arith.cmpi slt, %jit3A_113, %sign3A_128 : i32
      %sign3A_130 = arith.extui %sign3A_129 : i1 to i32
      %sign3A_131 = arith.subi %sign3A_127, %sign3A_130 : i32
      %ne3A_132 = vector.broadcast %sign3A_131 : i32 to vector<16xi32>
      %ne3A_133 = arith.cmpi ne, %sign3A_124, %ne3A_132 : vector<16xi32>
      %rem3A_134 = vector.broadcast %jit3A_113 : i32 to vector<16xi32>
      %rem3A_135 = arith.remsi %sub3A_105, %rem3A_134 : vector<16xi32>
      %ne3A_136 = arith.constant 0 : i32
      %ne3A_137 = vector.broadcast %ne3A_136 : i32 to vector<16xi32>
      %ne3A_138 = arith.cmpi ne, %rem3A_135, %ne3A_137 : vector<16xi32>
      %and3A_139 = arith.andi %ne3A_133, %ne3A_138 : vector<16xi1>
      %sub3A_140 = arith.constant 1 : i32
      %sub3A_141 = vector.broadcast %sub3A_140 : i32 to vector<16xi32>
      %sub3A_142 = arith.subi %div3A_115, %sub3A_141 : vector<16xi32>
      %select_n3A_143 = arith.select %and3A_139, %sub3A_142, %div3A_115 : vector<16xi1>, vector<16xi32>
      %jit3A_144 = arith.constant 128 : i32
      %eq3A_145 = arith.constant 0 : i32
      %eq3A_146 = arith.cmpi eq, %jit3A_144, %eq3A_145 : i32
      %jit3A_147 = arith.constant 1 : i32
      %select_n3A_148 = arith.select %eq3A_146, %jit3A_147, %jit3A_144 : i32
      %rem3A_149 = vector.broadcast %select_n3A_148 : i32 to vector<16xi32>
      %rem3A_150 = arith.remsi %sub3A_105, %rem3A_149 : vector<16xi32>
      %ne3A_151 = arith.constant 0 : i32
      %ne3A_152 = vector.broadcast %ne3A_151 : i32 to vector<16xi32>
      %ne3A_153 = arith.cmpi ne, %rem3A_150, %ne3A_152 : vector<16xi32>
      %lt3A_154 = arith.constant 0 : i32
      %lt3A_155 = vector.broadcast %lt3A_154 : i32 to vector<16xi32>
      %lt3A_156 = arith.cmpi slt, %rem3A_150, %lt3A_155 : vector<16xi32>
      %lt3A_157 = arith.constant 0 : i32
      %lt3A_158 = arith.cmpi slt, %select_n3A_148, %lt3A_157 : i32
      %ne3A_159 = vector.broadcast %lt3A_158 : i1 to vector<16xi1>
      %ne3A_160 = vector.broadcast %ne3A_159 : vector<16xi1> to vector<16xi1>
      %ne3A_161 = arith.xori %lt3A_156, %ne3A_160 : vector<16xi1>
      %and3A_162 = arith.andi %ne3A_161, %ne3A_153 : vector<16xi1>
      %add3A_163 = vector.broadcast %select_n3A_148 : i32 to vector<16xi32>
      %add3A_164 = arith.addi %rem3A_150, %add3A_163 : vector<16xi32>
      %select_n3A_165 = arith.select %and3A_162, %add3A_164, %rem3A_150 : vector<16xi1>, vector<16xi32>
      tpu.vector_store_idx %arg7[%select_n3A_143, %select_n3A_165], %min3A_107 masked %lt3A_93 : memref<51x128xi32, #tpu.memory_space<vmem>>[vector<16xi32>, vector<16xi32>], vector<16xi32>, vector<16xi1>
      %jit3A_166 = arith.constant 128 : i32
      %div3A_167 = vector.broadcast %jit3A_166 : i32 to vector<16xi32>
      %div3A_168 = arith.divsi %sub3A_105, %div3A_167 : vector<16xi32>
      %sign3A_169 = arith.constant 0 : i32
      %sign3A_170 = vector.broadcast %sign3A_169 : i32 to vector<16xi32>
      %sign3A_171 = arith.cmpi sgt, %sub3A_105, %sign3A_170 : vector<16xi32>
      %sign3A_172 = arith.extui %sign3A_171 : vector<16xi1> to vector<16xi32>
      %sign3A_173 = arith.constant 0 : i32
      %sign3A_174 = vector.broadcast %sign3A_173 : i32 to vector<16xi32>
      %sign3A_175 = arith.cmpi slt, %sub3A_105, %sign3A_174 : vector<16xi32>
      %sign3A_176 = arith.extui %sign3A_175 : vector<16xi1> to vector<16xi32>
      %sign3A_177 = arith.subi %sign3A_172, %sign3A_176 : vector<16xi32>
      %sign3A_178 = arith.constant 0 : i32
      %sign3A_179 = arith.cmpi sgt, %jit3A_166, %sign3A_178 : i32
      %sign3A_180 = arith.extui %sign3A_179 : i1 to i32
      %sign3A_181 = arith.constant 0 : i32
      %sign3A_182 = arith.cmpi slt, %jit3A_166, %sign3A_181 : i32
      %sign3A_183 = arith.extui %sign3A_182 : i1 to i32
      %sign3A_184 = arith.subi %sign3A_180, %sign3A_183 : i32
      %ne3A_185 = vector.broadcast %sign3A_184 : i32 to vector<16xi32>
      %ne3A_186 = arith.cmpi ne, %sign3A_177, %ne3A_185 : vector<16xi32>
      %rem3A_187 = vector.broadcast %jit3A_166 : i32 to vector<16xi32>
      %rem3A_188 = arith.remsi %sub3A_105, %rem3A_187 : vector<16xi32>
      %ne3A_189 = arith.constant 0 : i32
      %ne3A_190 = vector.broadcast %ne3A_189 : i32 to vector<16xi32>
      %ne3A_191 = arith.cmpi ne, %rem3A_188, %ne3A_190 : vector<16xi32>
      %and3A_192 = arith.andi %ne3A_186, %ne3A_191 : vector<16xi1>
      %sub3A_193 = arith.constant 1 : i32
      %sub3A_194 = vector.broadcast %sub3A_193 : i32 to vector<16xi32>
      %sub3A_195 = arith.subi %div3A_168, %sub3A_194 : vector<16xi32>
      %select_n3A_196 = arith.select %and3A_192, %sub3A_195, %div3A_168 : vector<16xi1>, vector<16xi32>
      %jit3A_197 = arith.constant 128 : i32
      %eq3A_198 = arith.constant 0 : i32
      %eq3A_199 = arith.cmpi eq, %jit3A_197, %eq3A_198 : i32
      %jit3A_200 = arith.constant 1 : i32
      %select_n3A_201 = arith.select %eq3A_199, %jit3A_200, %jit3A_197 : i32
      %rem3A_202 = vector.broadcast %select_n3A_201 : i32 to vector<16xi32>
      %rem3A_203 = arith.remsi %sub3A_105, %rem3A_202 : vector<16xi32>
      %ne3A_204 = arith.constant 0 : i32
      %ne3A_205 = vector.broadcast %ne3A_204 : i32 to vector<16xi32>
      %ne3A_206 = arith.cmpi ne, %rem3A_203, %ne3A_205 : vector<16xi32>
      %lt3A_207 = arith.constant 0 : i32
      %lt3A_208 = vector.broadcast %lt3A_207 : i32 to vector<16xi32>
      %lt3A_209 = arith.cmpi slt, %rem3A_203, %lt3A_208 : vector<16xi32>
      %lt3A_210 = arith.constant 0 : i32
      %lt3A_211 = arith.cmpi slt, %select_n3A_201, %lt3A_210 : i32
      %ne3A_212 = vector.broadcast %lt3A_211 : i1 to vector<16xi1>
      %ne3A_213 = vector.broadcast %ne3A_212 : vector<16xi1> to vector<16xi1>
      %ne3A_214 = arith.xori %lt3A_209, %ne3A_213 : vector<16xi1>
      %and3A_215 = arith.andi %ne3A_214, %ne3A_206 : vector<16xi1>
      %add3A_216 = vector.broadcast %select_n3A_201 : i32 to vector<16xi32>
      %add3A_217 = arith.addi %rem3A_203, %add3A_216 : vector<16xi32>
      %select_n3A_218 = arith.select %and3A_215, %add3A_217, %rem3A_203 : vector<16xi1>, vector<16xi32>
      tpu.vector_store_idx %arg8[%select_n3A_196, %select_n3A_218], %add3A_112 masked %lt3A_93 : memref<51x128xi32, #tpu.memory_space<vmem>>[vector<16xi32>, vector<16xi32>], vector<16xi32>, vector<16xi1>
      %reduce_sum3A = arith.constant true
      %reduce_sum3A_219 = vector.broadcast %reduce_sum3A : i1 to vector<16xi1>
      %reduce_sum3A_220 = tpu.scan <sum>, %select_n3A_98 masked %reduce_sum3A_219 : vector<16xi32>, vector<16xi1> -> vector<16xi32>
      %reduce_sum3A_221 = vector.extract %reduce_sum3A_220[15] : i32 from vector<16xi32>
      %add3A_222 = arith.addi %scan3A_87, %reduce_sum3A_221 : i32
      scf.yield %add3A_222 : i32
    }
    %scan3A_8 = arith.constant 400 : i32
    %sub3A = arith.constant 1 : i32
    %sub3A_9 = arith.subi %scan3A_7, %sub3A : i32
    %max3A = arith.constant 0 : i32
    %max3A_10 = arith.maxsi %sub3A_9, %max3A : i32
    %jit3A = arith.constant 128 : i32
    %div3A = arith.divsi %max3A_10, %jit3A : i32
    %sign3A = arith.constant 0 : i32
    %sign3A_11 = arith.cmpi sgt, %max3A_10, %sign3A : i32
    %sign3A_12 = arith.extui %sign3A_11 : i1 to i32
    %sign3A_13 = arith.constant 0 : i32
    %sign3A_14 = arith.cmpi slt, %max3A_10, %sign3A_13 : i32
    %sign3A_15 = arith.extui %sign3A_14 : i1 to i32
    %sign3A_16 = arith.subi %sign3A_12, %sign3A_15 : i32
    %sign3A_17 = arith.constant 0 : i32
    %sign3A_18 = arith.cmpi sgt, %jit3A, %sign3A_17 : i32
    %sign3A_19 = arith.extui %sign3A_18 : i1 to i32
    %sign3A_20 = arith.constant 0 : i32
    %sign3A_21 = arith.cmpi slt, %jit3A, %sign3A_20 : i32
    %sign3A_22 = arith.extui %sign3A_21 : i1 to i32
    %sign3A_23 = arith.subi %sign3A_19, %sign3A_22 : i32
    %ne3A = arith.cmpi ne, %sign3A_16, %sign3A_23 : i32
    %rem3A = arith.remsi %max3A_10, %jit3A : i32
    %ne3A_24 = arith.constant 0 : i32
    %ne3A_25 = arith.cmpi ne, %rem3A, %ne3A_24 : i32
    %and3A = arith.andi %ne3A, %ne3A_25 : i1
    %sub3A_26 = arith.constant 1 : i32
    %sub3A_27 = arith.subi %div3A, %sub3A_26 : i32
    %select_n3A = arith.select %and3A, %sub3A_27, %div3A : i32
    %broadcast_in_dim3A = vector.broadcast %select_n3A : i32 to vector<16xi32>
    %jit3A_28 = arith.constant 128 : i32
    %eq3A = arith.constant 0 : i32
    %eq3A_29 = arith.cmpi eq, %jit3A_28, %eq3A : i32
    %jit3A_30 = arith.constant 1 : i32
    %select_n3A_31 = arith.select %eq3A_29, %jit3A_30, %jit3A_28 : i32
    %rem3A_32 = arith.remsi %max3A_10, %select_n3A_31 : i32
    %ne3A_33 = arith.constant 0 : i32
    %ne3A_34 = arith.cmpi ne, %rem3A_32, %ne3A_33 : i32
    %lt3A = arith.constant 0 : i32
    %lt3A_35 = arith.cmpi slt, %rem3A_32, %lt3A : i32
    %lt3A_36 = arith.constant 0 : i32
    %lt3A_37 = arith.cmpi slt, %select_n3A_31, %lt3A_36 : i32
    %ne3A_38 = arith.xori %lt3A_35, %lt3A_37 : i1
    %and3A_39 = arith.andi %ne3A_38, %ne3A_34 : i1
    %add3A_40 = arith.addi %rem3A_32, %select_n3A_31 : i32
    %select_n3A_41 = arith.select %and3A_39, %add3A_40, %rem3A_32 : i32
    %broadcast_in_dim3A_42 = vector.broadcast %select_n3A_41 : i32 to vector<16xi32>
    %gather3A = tpu.vector_load_idx %arg7[%broadcast_in_dim3A, %broadcast_in_dim3A_42] : memref<51x128xi32, #tpu.memory_space<vmem>>[vector<16xi32>, vector<16xi32>], vector<16xi32>,
    %gather3A_43 = tpu.vector_load_idx %arg8[%broadcast_in_dim3A, %broadcast_in_dim3A_42] : memref<51x128xi32, #tpu.memory_space<vmem>>[vector<16xi32>, vector<16xi32>], vector<16xi32>,
    %scan3A_44 = arith.constant 0 : i32
    %scan3A_45 = arith.constant 8 : i32
    %scan3A_46 = arith.addi %scan3A_44, %scan3A_45 : i32
    %scan3A_47 = arith.constant 1 : i32
    scf.for %scan3A_86 = %scan3A_44 to %scan3A_46 step %scan3A_47  : i32 {
      %mul3A_87 = arith.constant 1 : i32
      %mul3A_88 = arith.muli %scan3A_86, %mul3A_87 : i32
      %add3A_89 = arith.constant 0 : i32
      %add3A_90 = arith.addi %add3A_89, %mul3A_88 : i32
      %mul3A_91 = arith.constant 16 : i32
      %mul3A_92 = arith.muli %add3A_90, %mul3A_91 : i32
      %add3A_93 = arith.addi %scan3A_7, %mul3A_92 : i32
      %iota3A = tpu.iota {dimensions = array<i32: 0>} : vector<16xi32>
      %add3A_94 = vector.broadcast %add3A_93 : i32 to vector<16xi32>
      %add3A_95 = arith.addi %add3A_94, %iota3A : vector<16xi32>
      %jit3A_96 = arith.constant 128 : i32
      %div3A_97 = vector.broadcast %jit3A_96 : i32 to vector<16xi32>
      %div3A_98 = arith.divsi %add3A_95, %div3A_97 : vector<16xi32>
      %sign3A_99 = arith.constant 0 : i32
      %sign3A_100 = vector.broadcast %sign3A_99 : i32 to vector<16xi32>
      %sign3A_101 = arith.cmpi sgt, %add3A_95, %sign3A_100 : vector<16xi32>
      %sign3A_102 = arith.extui %sign3A_101 : vector<16xi1> to vector<16xi32>
      %sign3A_103 = arith.constant 0 : i32
      %sign3A_104 = vector.broadcast %sign3A_103 : i32 to vector<16xi32>
      %sign3A_105 = arith.cmpi slt, %add3A_95, %sign3A_104 : vector<16xi32>
      %sign3A_106 = arith.extui %sign3A_105 : vector<16xi1> to vector<16xi32>
      %sign3A_107 = arith.subi %sign3A_102, %sign3A_106 : vector<16xi32>
      %sign3A_108 = arith.constant 0 : i32
      %sign3A_109 = arith.cmpi sgt, %jit3A_96, %sign3A_108 : i32
      %sign3A_110 = arith.extui %sign3A_109 : i1 to i32
      %sign3A_111 = arith.constant 0 : i32
      %sign3A_112 = arith.cmpi slt, %jit3A_96, %sign3A_111 : i32
      %sign3A_113 = arith.extui %sign3A_112 : i1 to i32
      %sign3A_114 = arith.subi %sign3A_110, %sign3A_113 : i32
      %ne3A_115 = vector.broadcast %sign3A_114 : i32 to vector<16xi32>
      %ne3A_116 = arith.cmpi ne, %sign3A_107, %ne3A_115 : vector<16xi32>
      %rem3A_117 = vector.broadcast %jit3A_96 : i32 to vector<16xi32>
      %rem3A_118 = arith.remsi %add3A_95, %rem3A_117 : vector<16xi32>
      %ne3A_119 = arith.constant 0 : i32
      %ne3A_120 = vector.broadcast %ne3A_119 : i32 to vector<16xi32>
      %ne3A_121 = arith.cmpi ne, %rem3A_118, %ne3A_120 : vector<16xi32>
      %and3A_122 = arith.andi %ne3A_116, %ne3A_121 : vector<16xi1>
      %sub3A_123 = arith.constant 1 : i32
      %sub3A_124 = vector.broadcast %sub3A_123 : i32 to vector<16xi32>
      %sub3A_125 = arith.subi %div3A_98, %sub3A_124 : vector<16xi32>
      %select_n3A_126 = arith.select %and3A_122, %sub3A_125, %div3A_98 : vector<16xi1>, vector<16xi32>
      %jit3A_127 = arith.constant 128 : i32
      %eq3A_128 = arith.constant 0 : i32
      %eq3A_129 = arith.cmpi eq, %jit3A_127, %eq3A_128 : i32
      %jit3A_130 = arith.constant 1 : i32
      %select_n3A_131 = arith.select %eq3A_129, %jit3A_130, %jit3A_127 : i32
      %rem3A_132 = vector.broadcast %select_n3A_131 : i32 to vector<16xi32>
      %rem3A_133 = arith.remsi %add3A_95, %rem3A_132 : vector<16xi32>
      %ne3A_134 = arith.constant 0 : i32
      %ne3A_135 = vector.broadcast %ne3A_134 : i32 to vector<16xi32>
      %ne3A_136 = arith.cmpi ne, %rem3A_133, %ne3A_135 : vector<16xi32>
      %lt3A_137 = arith.constant 0 : i32
      %lt3A_138 = vector.broadcast %lt3A_137 : i32 to vector<16xi32>
      %lt3A_139 = arith.cmpi slt, %rem3A_133, %lt3A_138 : vector<16xi32>
      %lt3A_140 = arith.constant 0 : i32
      %lt3A_141 = arith.cmpi slt, %select_n3A_131, %lt3A_140 : i32
      %ne3A_142 = vector.broadcast %lt3A_141 : i1 to vector<16xi1>
      %ne3A_143 = vector.broadcast %ne3A_142 : vector<16xi1> to vector<16xi1>
      %ne3A_144 = arith.xori %lt3A_139, %ne3A_143 : vector<16xi1>
      %and3A_145 = arith.andi %ne3A_144, %ne3A_136 : vector<16xi1>
      %add3A_146 = vector.broadcast %select_n3A_131 : i32 to vector<16xi32>
      %add3A_147 = arith.addi %rem3A_133, %add3A_146 : vector<16xi32>
      %select_n3A_148 = arith.select %and3A_145, %add3A_147, %rem3A_133 : vector<16xi1>, vector<16xi32>
      tpu.vector_store_idx %arg7[%select_n3A_126, %select_n3A_148], %gather3A : memref<51x128xi32, #tpu.memory_space<vmem>>[vector<16xi32>, vector<16xi32>], vector<16xi32>,
      %jit3A_149 = arith.constant 128 : i32
      %div3A_150 = vector.broadcast %jit3A_149 : i32 to vector<16xi32>
      %div3A_151 = arith.divsi %add3A_95, %div3A_150 : vector<16xi32>
      %sign3A_152 = arith.constant 0 : i32
      %sign3A_153 = vector.broadcast %sign3A_152 : i32 to vector<16xi32>
      %sign3A_154 = arith.cmpi sgt, %add3A_95, %sign3A_153 : vector<16xi32>
      %sign3A_155 = arith.extui %sign3A_154 : vector<16xi1> to vector<16xi32>
      %sign3A_156 = arith.constant 0 : i32
      %sign3A_157 = vector.broadcast %sign3A_156 : i32 to vector<16xi32>
      %sign3A_158 = arith.cmpi slt, %add3A_95, %sign3A_157 : vector<16xi32>
      %sign3A_159 = arith.extui %sign3A_158 : vector<16xi1> to vector<16xi32>
      %sign3A_160 = arith.subi %sign3A_155, %sign3A_159 : vector<16xi32>
      %sign3A_161 = arith.constant 0 : i32
      %sign3A_162 = arith.cmpi sgt, %jit3A_149, %sign3A_161 : i32
      %sign3A_163 = arith.extui %sign3A_162 : i1 to i32
      %sign3A_164 = arith.constant 0 : i32
      %sign3A_165 = arith.cmpi slt, %jit3A_149, %sign3A_164 : i32
      %sign3A_166 = arith.extui %sign3A_165 : i1 to i32
      %sign3A_167 = arith.subi %sign3A_163, %sign3A_166 : i32
      %ne3A_168 = vector.broadcast %sign3A_167 : i32 to vector<16xi32>
      %ne3A_169 = arith.cmpi ne, %sign3A_160, %ne3A_168 : vector<16xi32>
      %rem3A_170 = vector.broadcast %jit3A_149 : i32 to vector<16xi32>
      %rem3A_171 = arith.remsi %add3A_95, %rem3A_170 : vector<16xi32>
      %ne3A_172 = arith.constant 0 : i32
      %ne3A_173 = vector.broadcast %ne3A_172 : i32 to vector<16xi32>
      %ne3A_174 = arith.cmpi ne, %rem3A_171, %ne3A_173 : vector<16xi32>
      %and3A_175 = arith.andi %ne3A_169, %ne3A_174 : vector<16xi1>
      %sub3A_176 = arith.constant 1 : i32
      %sub3A_177 = vector.broadcast %sub3A_176 : i32 to vector<16xi32>
      %sub3A_178 = arith.subi %div3A_151, %sub3A_177 : vector<16xi32>
      %select_n3A_179 = arith.select %and3A_175, %sub3A_178, %div3A_151 : vector<16xi1>, vector<16xi32>
      %jit3A_180 = arith.constant 128 : i32
      %eq3A_181 = arith.constant 0 : i32
      %eq3A_182 = arith.cmpi eq, %jit3A_180, %eq3A_181 : i32
      %jit3A_183 = arith.constant 1 : i32
      %select_n3A_184 = arith.select %eq3A_182, %jit3A_183, %jit3A_180 : i32
      %rem3A_185 = vector.broadcast %select_n3A_184 : i32 to vector<16xi32>
      %rem3A_186 = arith.remsi %add3A_95, %rem3A_185 : vector<16xi32>
      %ne3A_187 = arith.constant 0 : i32
      %ne3A_188 = vector.broadcast %ne3A_187 : i32 to vector<16xi32>
      %ne3A_189 = arith.cmpi ne, %rem3A_186, %ne3A_188 : vector<16xi32>
      %lt3A_190 = arith.constant 0 : i32
      %lt3A_191 = vector.broadcast %lt3A_190 : i32 to vector<16xi32>
      %lt3A_192 = arith.cmpi slt, %rem3A_186, %lt3A_191 : vector<16xi32>
      %lt3A_193 = arith.constant 0 : i32
      %lt3A_194 = arith.cmpi slt, %select_n3A_184, %lt3A_193 : i32
      %ne3A_195 = vector.broadcast %lt3A_194 : i1 to vector<16xi1>
      %ne3A_196 = vector.broadcast %ne3A_195 : vector<16xi1> to vector<16xi1>
      %ne3A_197 = arith.xori %lt3A_192, %ne3A_196 : vector<16xi1>
      %and3A_198 = arith.andi %ne3A_197, %ne3A_189 : vector<16xi1>
      %add3A_199 = vector.broadcast %select_n3A_184 : i32 to vector<16xi32>
      %add3A_200 = arith.addi %rem3A_186, %add3A_199 : vector<16xi32>
      %select_n3A_201 = arith.select %and3A_198, %add3A_200, %rem3A_186 : vector<16xi1>, vector<16xi32>
      tpu.vector_store_idx %arg8[%select_n3A_179, %select_n3A_201], %gather3A_43 : memref<51x128xi32, #tpu.memory_space<vmem>>[vector<16xi32>, vector<16xi32>], vector<16xi32>,
    }
    %scan3A_48 = arith.constant 8 : i32
    %add3A_49 = arith.constant 128 : i32
    %add3A_50 = arith.addi %scan3A_7, %add3A_49 : i32
    %sub3A_51 = arith.constant 1 : i32
    %sub3A_52 = arith.subi %add3A_50, %sub3A_51 : i32
    %jit3A_53 = arith.constant 128 : i32
    %div3A_54 = arith.divsi %sub3A_52, %jit3A_53 : i32
    %sign3A_55 = arith.constant 0 : i32
    %sign3A_56 = arith.cmpi sgt, %sub3A_52, %sign3A_55 : i32
    %sign3A_57 = arith.extui %sign3A_56 : i1 to i32
    %sign3A_58 = arith.constant 0 : i32
    %sign3A_59 = arith.cmpi slt, %sub3A_52, %sign3A_58 : i32
    %sign3A_60 = arith.extui %sign3A_59 : i1 to i32
    %sign3A_61 = arith.subi %sign3A_57, %sign3A_60 : i32
    %sign3A_62 = arith.constant 0 : i32
    %sign3A_63 = arith.cmpi sgt, %jit3A_53, %sign3A_62 : i32
    %sign3A_64 = arith.extui %sign3A_63 : i1 to i32
    %sign3A_65 = arith.constant 0 : i32
    %sign3A_66 = arith.cmpi slt, %jit3A_53, %sign3A_65 : i32
    %sign3A_67 = arith.extui %sign3A_66 : i1 to i32
    %sign3A_68 = arith.subi %sign3A_64, %sign3A_67 : i32
    %ne3A_69 = arith.cmpi ne, %sign3A_61, %sign3A_68 : i32
    %rem3A_70 = arith.remsi %sub3A_52, %jit3A_53 : i32
    %ne3A_71 = arith.constant 0 : i32
    %ne3A_72 = arith.cmpi ne, %rem3A_70, %ne3A_71 : i32
    %and3A_73 = arith.andi %ne3A_69, %ne3A_72 : i1
    %sub3A_74 = arith.constant 1 : i32
    %sub3A_75 = arith.subi %div3A_54, %sub3A_74 : i32
    %select_n3A_76 = arith.select %and3A_73, %sub3A_75, %div3A_54 : i32
    %while3A = arith.constant 0 : i32
    %while3A_77 = arith.constant 0 : i32
    %while3A_78 = arith.subi %select_n3A_76, %while3A_77 : i32
    %while3A_79 = arith.addi %while3A_77, %while3A_78 : i32
    %while3A_80 = arith.constant 1 : i32
    %while3A_81 = arith.divsi %while3A_78, %while3A_80 : i32
    %while3A_82 = arith.muli %while3A_81, %while3A_80 : i32
    %while3A_83 = arith.addi %while3A_77, %while3A_82 : i32
    %while3A_84 = arith.constant 1 : i32
    scf.for %while3A_86 = %while3A_77 to %while3A_83 step %while3A_84  : i32 {
      %dma_start3A = arith.constant 0 : i32
      %dma_start3A_87 = tpu.memref_slice %arg7[%while3A_86, %dma_start3A] : memref<51x128xi32, #tpu.memory_space<vmem>> -> memref<1x128xi32, #tpu.memory_space<vmem>>
      %dma_start3A_88 = tpu.memref_squeeze %dma_start3A_87 : memref<1x128xi32, #tpu.memory_space<vmem>> -> memref<128xi32, #tpu.memory_space<vmem>>
      %dma_start3A_89 = arith.constant 0 : i32
      %dma_start3A_90 = arith.constant 0 : i32
      %dma_start3A_91 = tpu.memref_slice %arg3[%dma_start3A_89, %dma_start3A_90] : memref<40000x128xf32, #tpu.memory_space<hbm>> -> memref<40000x128xf32, #tpu.memory_space<hbm>>
      tpu.enqueue_indirect_dma source(%dma_start3A_91 : memref<40000x128xf32, #tpu.memory_space<hbm>>) target(%arg9 : memref<128x128xf32, #tpu.memory_space<vmem>>) offsets(%dma_start3A_88 : memref<128xi32, #tpu.memory_space<vmem>>) semaphore(%arg10 : memref<!tpu.dma_semaphore, #tpu.memory_space<semaphore_mem>>)
      %dma_wait3A = arith.constant 0 : i32
      %dma_wait3A_92 = tpu.memref_slice %arg7[%while3A_86, %dma_wait3A] : memref<51x128xi32, #tpu.memory_space<vmem>> -> memref<1x128xi32, #tpu.memory_space<vmem>>
      %dma_wait3A_93 = tpu.memref_squeeze %dma_wait3A_92 : memref<1x128xi32, #tpu.memory_space<vmem>> -> memref<128xi32, #tpu.memory_space<vmem>>
      %dma_wait3A_94 = arith.constant 0 : i32
      %dma_wait3A_95 = arith.constant 0 : i32
      %dma_wait3A_96 = tpu.memref_slice %arg3[%dma_wait3A_94, %dma_wait3A_95] : memref<40000x128xf32, #tpu.memory_space<hbm>> -> memref<40000x128xf32, #tpu.memory_space<hbm>>
      tpu.wait_indirect_dma semaphore(%arg10 : memref<!tpu.dma_semaphore, #tpu.memory_space<semaphore_mem>>) src(%dma_wait3A_96 : memref<40000x128xf32, #tpu.memory_space<hbm>>) dst(%arg9 : memref<128x128xf32, #tpu.memory_space<vmem>>)
      %dma_start3A_97 = arith.constant 0 : i32
      %dma_start3A_98 = tpu.memref_slice %arg8[%while3A_86, %dma_start3A_97] : memref<51x128xi32, #tpu.memory_space<vmem>> -> memref<1x128xi32, #tpu.memory_space<vmem>>
      %dma_start3A_99 = tpu.memref_squeeze %dma_start3A_98 : memref<1x128xi32, #tpu.memory_space<vmem>> -> memref<128xi32, #tpu.memory_space<vmem>>
      %dma_start3A_100 = arith.constant 0 : i32
      %dma_start3A_101 = arith.constant 0 : i32
      %dma_start3A_102 = tpu.memref_slice %arg4[%dma_start3A_100, %dma_start3A_101] : memref<204800x128xf32, #tpu.memory_space<hbm>> -> memref<204800x128xf32, #tpu.memory_space<hbm>>
      tpu.enqueue_indirect_dma source(%arg9 : memref<128x128xf32, #tpu.memory_space<vmem>>) target(%dma_start3A_102 : memref<204800x128xf32, #tpu.memory_space<hbm>>) offsets(%dma_start3A_99 : memref<128xi32, #tpu.memory_space<vmem>>) semaphore(%arg11 : memref<!tpu.dma_semaphore, #tpu.memory_space<semaphore_mem>>)
      %dma_wait3A_103 = arith.constant 0 : i32
      %dma_wait3A_104 = tpu.memref_slice %arg8[%while3A_86, %dma_wait3A_103] : memref<51x128xi32, #tpu.memory_space<vmem>> -> memref<1x128xi32, #tpu.memory_space<vmem>>
      %dma_wait3A_105 = tpu.memref_squeeze %dma_wait3A_104 : memref<1x128xi32, #tpu.memory_space<vmem>> -> memref<128xi32, #tpu.memory_space<vmem>>
      %dma_wait3A_106 = arith.constant 0 : i32
      %dma_wait3A_107 = arith.constant 0 : i32
      %dma_wait3A_108 = tpu.memref_slice %arg4[%dma_wait3A_106, %dma_wait3A_107] : memref<204800x128xf32, #tpu.memory_space<hbm>> -> memref<204800x128xf32, #tpu.memory_space<hbm>>
      tpu.wait_indirect_dma semaphore(%arg11 : memref<!tpu.dma_semaphore, #tpu.memory_space<semaphore_mem>>) src(%arg9 : memref<128x128xf32, #tpu.memory_space<vmem>>) dst(%dma_wait3A_108 : memref<204800x128xf32, #tpu.memory_space<hbm>>)
    }
    %while3A_85 = arith.constant 1 : i32
    scf.for %while3A_86 = %while3A_83 to %while3A_79 step %while3A_85  : i32 {
      %dma_start3A = arith.constant 0 : i32
      %dma_start3A_87 = tpu.memref_slice %arg7[%while3A_86, %dma_start3A] : memref<51x128xi32, #tpu.memory_space<vmem>> -> memref<1x128xi32, #tpu.memory_space<vmem>>
      %dma_start3A_88 = tpu.memref_squeeze %dma_start3A_87 : memref<1x128xi32, #tpu.memory_space<vmem>> -> memref<128xi32, #tpu.memory_space<vmem>>
      %dma_start3A_89 = arith.constant 0 : i32
      %dma_start3A_90 = arith.constant 0 : i32
      %dma_start3A_91 = tpu.memref_slice %arg3[%dma_start3A_89, %dma_start3A_90] : memref<40000x128xf32, #tpu.memory_space<hbm>> -> memref<40000x128xf32, #tpu.memory_space<hbm>>
      tpu.enqueue_indirect_dma source(%dma_start3A_91 : memref<40000x128xf32, #tpu.memory_space<hbm>>) target(%arg9 : memref<128x128xf32, #tpu.memory_space<vmem>>) offsets(%dma_start3A_88 : memref<128xi32, #tpu.memory_space<vmem>>) semaphore(%arg10 : memref<!tpu.dma_semaphore, #tpu.memory_space<semaphore_mem>>)
      %dma_wait3A = arith.constant 0 : i32
      %dma_wait3A_92 = tpu.memref_slice %arg7[%while3A_86, %dma_wait3A] : memref<51x128xi32, #tpu.memory_space<vmem>> -> memref<1x128xi32, #tpu.memory_space<vmem>>
      %dma_wait3A_93 = tpu.memref_squeeze %dma_wait3A_92 : memref<1x128xi32, #tpu.memory_space<vmem>> -> memref<128xi32, #tpu.memory_space<vmem>>
      %dma_wait3A_94 = arith.constant 0 : i32
      %dma_wait3A_95 = arith.constant 0 : i32
      %dma_wait3A_96 = tpu.memref_slice %arg3[%dma_wait3A_94, %dma_wait3A_95] : memref<40000x128xf32, #tpu.memory_space<hbm>> -> memref<40000x128xf32, #tpu.memory_space<hbm>>
      tpu.wait_indirect_dma semaphore(%arg10 : memref<!tpu.dma_semaphore, #tpu.memory_space<semaphore_mem>>) src(%dma_wait3A_96 : memref<40000x128xf32, #tpu.memory_space<hbm>>) dst(%arg9 : memref<128x128xf32, #tpu.memory_space<vmem>>)
      %dma_start3A_97 = arith.constant 0 : i32
      %dma_start3A_98 = tpu.memref_slice %arg8[%while3A_86, %dma_start3A_97] : memref<51x128xi32, #tpu.memory_space<vmem>> -> memref<1x128xi32, #tpu.memory_space<vmem>>
      %dma_start3A_99 = tpu.memref_squeeze %dma_start3A_98 : memref<1x128xi32, #tpu.memory_space<vmem>> -> memref<128xi32, #tpu.memory_space<vmem>>
      %dma_start3A_100 = arith.constant 0 : i32
      %dma_start3A_101 = arith.constant 0 : i32
      %dma_start3A_102 = tpu.memref_slice %arg4[%dma_start3A_100, %dma_start3A_101] : memref<204800x128xf32, #tpu.memory_space<hbm>> -> memref<204800x128xf32, #tpu.memory_space<hbm>>
      tpu.enqueue_indirect_dma source(%arg9 : memref<128x128xf32, #tpu.memory_space<vmem>>) target(%dma_start3A_102 : memref<204800x128xf32, #tpu.memory_space<hbm>>) offsets(%dma_start3A_99 : memref<128xi32, #tpu.memory_space<vmem>>) semaphore(%arg11 : memref<!tpu.dma_semaphore, #tpu.memory_space<semaphore_mem>>)
      %dma_wait3A_103 = arith.constant 0 : i32
      %dma_wait3A_104 = tpu.memref_slice %arg8[%while3A_86, %dma_wait3A_103] : memref<51x128xi32, #tpu.memory_space<vmem>> -> memref<1x128xi32, #tpu.memory_space<vmem>>
      %dma_wait3A_105 = tpu.memref_squeeze %dma_wait3A_104 : memref<1x128xi32, #tpu.memory_space<vmem>> -> memref<128xi32, #tpu.memory_space<vmem>>
      %dma_wait3A_106 = arith.constant 0 : i32
      %dma_wait3A_107 = arith.constant 0 : i32
      %dma_wait3A_108 = tpu.memref_slice %arg4[%dma_wait3A_106, %dma_wait3A_107] : memref<204800x128xf32, #tpu.memory_space<hbm>> -> memref<204800x128xf32, #tpu.memory_space<hbm>>
      tpu.wait_indirect_dma semaphore(%arg11 : memref<!tpu.dma_semaphore, #tpu.memory_space<semaphore_mem>>) src(%arg9 : memref<128x128xf32, #tpu.memory_space<vmem>>) dst(%dma_wait3A_108 : memref<204800x128xf32, #tpu.memory_space<hbm>>)
    }
    return
  }
}

#map = affine_map<(d0, d1) -> (0, 0)>
module attributes {stable_mosaic.version = 14 : i64} {
  func.func @_sc_pack_e2(%arg0: i32, %arg1: i32, %arg2: memref<60000x128xf32, #tpu.memory_space<hbm>>, %arg3: memref<960000x8xf32, #tpu.memory_space<hbm>>, %arg4: memref<2x200x128xf32, #tpu.memory_space<vmem>>, %arg5: memref<2x3200x8xf32, #tpu.memory_space<vmem>>, %arg6: memref<!tpu.dma_semaphore, #tpu.memory_space<semaphore_mem>>, %arg7: memref<!tpu.dma_semaphore, #tpu.memory_space<semaphore_mem>>) attributes {dimension_semantics = [#tpu.dimension_semantics<core_parallel>, #tpu.dimension_semantics<subcore_parallel>], iteration_bounds = array<i64: 2, 16>, scalar_prefetch = 0 : i64, scratch_operands = 4 : i64, tpu.core_type = #tpu.core_type<sc_vector_subcore>, window_params = [{transform_indices = #map}, {transform_indices = #map}]} {
    %mul3A = arith.constant 2 : i32
    %mul3A_0 = arith.muli %arg1, %mul3A : i32
    %add3A = arith.addi %mul3A_0, %arg0 : i32
    %sub3A = arith.constant 299 : i32
    %sub3A_1 = arith.subi %sub3A, %add3A : i32
    %jit3A = arith.constant 32 : i32
    %div3A = arith.divsi %sub3A_1, %jit3A : i32
    %sign3A = arith.constant 0 : i32
    %sign3A_2 = arith.cmpi sgt, %sub3A_1, %sign3A : i32
    %sign3A_3 = arith.extui %sign3A_2 : i1 to i32
    %sign3A_4 = arith.constant 0 : i32
    %sign3A_5 = arith.cmpi slt, %sub3A_1, %sign3A_4 : i32
    %sign3A_6 = arith.extui %sign3A_5 : i1 to i32
    %sign3A_7 = arith.subi %sign3A_3, %sign3A_6 : i32
    %sign3A_8 = arith.constant 0 : i32
    %sign3A_9 = arith.cmpi sgt, %jit3A, %sign3A_8 : i32
    %sign3A_10 = arith.extui %sign3A_9 : i1 to i32
    %sign3A_11 = arith.constant 0 : i32
    %sign3A_12 = arith.cmpi slt, %jit3A, %sign3A_11 : i32
    %sign3A_13 = arith.extui %sign3A_12 : i1 to i32
    %sign3A_14 = arith.subi %sign3A_10, %sign3A_13 : i32
    %ne3A = arith.cmpi ne, %sign3A_7, %sign3A_14 : i32
    %rem3A = arith.remsi %sub3A_1, %jit3A : i32
    %ne3A_15 = arith.constant 0 : i32
    %ne3A_16 = arith.cmpi ne, %rem3A, %ne3A_15 : i32
    %and3A = arith.andi %ne3A, %ne3A_16 : i1
    %sub3A_17 = arith.constant 1 : i32
    %sub3A_18 = arith.subi %div3A, %sub3A_17 : i32
    %select_n3A = arith.select %and3A, %sub3A_18, %div3A : i32
    %add3A_19 = arith.constant 1 : i32
    %add3A_20 = arith.addi %select_n3A, %add3A_19 : i32
    %iota3A = tpu.iota {dimensions = array<i32: 0>} : vector<16xi32>
    %add3A_21 = arith.constant 0 : i32
    %add3A_22 = arith.addi %add3A, %add3A_21 : i32
    %mul3A_23 = arith.constant 8 : i32
    %mul3A_24 = arith.muli %add3A_22, %mul3A_23 : i32
    %mul3A_25 = arith.constant 25 : i32
    %mul3A_26 = arith.muli %mul3A_24, %mul3A_25 : i32
    %dma_start3A = arith.constant 0 : i32
    %dma_start3A_27 = arith.constant 0 : i32
    %dma_start3A_28 = arith.constant 0 : i32
    %dma_start3A_29 = tpu.memref_slice %arg4[%dma_start3A, %dma_start3A_27, %dma_start3A_28] : memref<2x200x128xf32, #tpu.memory_space<vmem>> -> memref<1x200x128xf32, #tpu.memory_space<vmem>>
    %dma_start3A_30 = tpu.memref_squeeze %dma_start3A_29 : memref<1x200x128xf32, #tpu.memory_space<vmem>> -> memref<200x128xf32, #tpu.memory_space<vmem>>
    %dma_start3A_31 = arith.constant 0 : i32
    %dma_start3A_32 = tpu.memref_slice %arg2[%mul3A_26, %dma_start3A_31] : memref<60000x128xf32, #tpu.memory_space<hbm>> -> memref<200x128xf32, #tpu.memory_space<hbm>>
    %dma_start3A_33 = arith.constant 0 : i32
    %dma_start3A_34 = arith.constant 0 : i32
    %dma_start3A_35 = tpu.memref_slice %arg4[%dma_start3A, %dma_start3A_33, %dma_start3A_34] : memref<2x200x128xf32, #tpu.memory_space<vmem>> -> memref<1x200x128xf32, #tpu.memory_space<vmem>>
    %dma_start3A_36 = tpu.memref_squeeze %dma_start3A_35 : memref<1x200x128xf32, #tpu.memory_space<vmem>> -> memref<200x128xf32, #tpu.memory_space<vmem>>
    %dma_start3A_37 = arith.constant 0 : i32
    %dma_start3A_38 = tpu.memref_slice %arg2[%mul3A_26, %dma_start3A_37] : memref<60000x128xf32, #tpu.memory_space<hbm>> -> memref<200x128xf32, #tpu.memory_space<hbm>>
    tpu.enqueue_dma source(%dma_start3A_38 : memref<200x128xf32, #tpu.memory_space<hbm>>) target(%dma_start3A_36 : memref<200x128xf32, #tpu.memory_space<vmem>>) target_semaphore(%arg6 : memref<!tpu.dma_semaphore, #tpu.memory_space<semaphore_mem>>)
    %while3A = arith.constant 0 : i32
    %while3A_39 = arith.constant 0 : i32
    %while3A_40 = arith.subi %add3A_20, %while3A_39 : i32
    %while3A_41 = arith.addi %while3A_39, %while3A_40 : i32
    %while3A_42 = arith.constant 1 : i32
    %while3A_43 = arith.divsi %while3A_40, %while3A_42 : i32
    %while3A_44 = arith.muli %while3A_43, %while3A_42 : i32
    %while3A_45 = arith.addi %while3A_39, %while3A_44 : i32
    %while3A_46 = arith.constant 1 : i32
    scf.for %while3A_95 = %while3A_39 to %while3A_45 step %while3A_46  : i32 {
      %rem3A_96 = arith.constant 2 : i32
      %rem3A_97 = arith.remsi %while3A_95, %rem3A_96 : i32
      %mul3A_98 = arith.constant 32 : i32
      %mul3A_99 = arith.muli %while3A_95, %mul3A_98 : i32
      %add3A_100 = arith.addi %add3A, %mul3A_99 : i32
      %mul3A_101 = arith.constant 8 : i32
      %mul3A_102 = arith.muli %add3A_100, %mul3A_101 : i32
      %mul3A_103 = arith.constant 25 : i32
      %mul3A_104 = arith.muli %mul3A_102, %mul3A_103 : i32
      %dma_wait3A_105 = arith.constant 0 : i32
      %dma_wait3A_106 = arith.constant 0 : i32
      %dma_wait3A_107 = tpu.memref_slice %arg4[%rem3A_97, %dma_wait3A_105, %dma_wait3A_106] : memref<2x200x128xf32, #tpu.memory_space<vmem>> -> memref<1x200x128xf32, #tpu.memory_space<vmem>>
      %dma_wait3A_108 = tpu.memref_squeeze %dma_wait3A_107 : memref<1x200x128xf32, #tpu.memory_space<vmem>> -> memref<200x128xf32, #tpu.memory_space<vmem>>
      %dma_wait3A_109 = arith.constant 0 : i32
      %dma_wait3A_110 = tpu.memref_slice %arg2[%mul3A_104, %dma_wait3A_109] : memref<60000x128xf32, #tpu.memory_space<hbm>> -> memref<200x128xf32, #tpu.memory_space<hbm>>
      %dma_wait3A_111 = arith.constant 0 : i32
      %dma_wait3A_112 = arith.constant 0 : i32
      %dma_wait3A_113 = tpu.memref_slice %arg4[%rem3A_97, %dma_wait3A_111, %dma_wait3A_112] : memref<2x200x128xf32, #tpu.memory_space<vmem>> -> memref<1x200x128xf32, #tpu.memory_space<vmem>>
      %dma_wait3A_114 = tpu.memref_squeeze %dma_wait3A_113 : memref<1x200x128xf32, #tpu.memory_space<vmem>> -> memref<200x128xf32, #tpu.memory_space<vmem>>
      %dma_wait3A_115 = arith.constant 0 : i32
      %dma_wait3A_116 = tpu.memref_slice %arg2[%mul3A_104, %dma_wait3A_115] : memref<60000x128xf32, #tpu.memory_space<hbm>> -> memref<200x128xf32, #tpu.memory_space<hbm>>
      tpu.wait_dma2 semaphore(%arg6 : memref<!tpu.dma_semaphore, #tpu.memory_space<semaphore_mem>>) src(%dma_wait3A_116 : memref<200x128xf32, #tpu.memory_space<hbm>>) dst(%dma_wait3A_114 : memref<200x128xf32, #tpu.memory_space<vmem>>)
      %add3A_117 = arith.constant 1 : i32
      %add3A_118 = arith.addi %while3A_95, %add3A_117 : i32
      %lt3A = arith.cmpi slt, %add3A_118, %add3A_20 : i32
      %convert_element_type3A = arith.extui %lt3A : i1 to i32
      %cond3A = arith.constant 0 : i32
      %cond3A_119 = arith.cmpi ne, %convert_element_type3A, %cond3A : i32
      scf.if %cond3A_119 {
        %add3A_152 = arith.constant 1 : i32
        %add3A_153 = arith.addi %while3A_95, %add3A_152 : i32
        %mul3A_154 = arith.constant 32 : i32
        %mul3A_155 = arith.muli %add3A_153, %mul3A_154 : i32
        %add3A_156 = arith.addi %add3A, %mul3A_155 : i32
        %mul3A_157 = arith.constant 8 : i32
        %mul3A_158 = arith.muli %add3A_156, %mul3A_157 : i32
        %mul3A_159 = arith.constant 25 : i32
        %mul3A_160 = arith.muli %mul3A_158, %mul3A_159 : i32
        %sub3A_161 = arith.constant 1 : i32
        %sub3A_162 = arith.subi %sub3A_161, %rem3A_97 : i32
        %dma_start3A_163 = arith.constant 0 : i32
        %dma_start3A_164 = arith.constant 0 : i32
        %dma_start3A_165 = tpu.memref_slice %arg4[%sub3A_162, %dma_start3A_163, %dma_start3A_164] : memref<2x200x128xf32, #tpu.memory_space<vmem>> -> memref<1x200x128xf32, #tpu.memory_space<vmem>>
        %dma_start3A_166 = tpu.memref_squeeze %dma_start3A_165 : memref<1x200x128xf32, #tpu.memory_space<vmem>> -> memref<200x128xf32, #tpu.memory_space<vmem>>
        %dma_start3A_167 = arith.constant 0 : i32
        %dma_start3A_168 = tpu.memref_slice %arg2[%mul3A_160, %dma_start3A_167] : memref<60000x128xf32, #tpu.memory_space<hbm>> -> memref<200x128xf32, #tpu.memory_space<hbm>>
        %dma_start3A_169 = arith.constant 0 : i32
        %dma_start3A_170 = arith.constant 0 : i32
        %dma_start3A_171 = tpu.memref_slice %arg4[%sub3A_162, %dma_start3A_169, %dma_start3A_170] : memref<2x200x128xf32, #tpu.memory_space<vmem>> -> memref<1x200x128xf32, #tpu.memory_space<vmem>>
        %dma_start3A_172 = tpu.memref_squeeze %dma_start3A_171 : memref<1x200x128xf32, #tpu.memory_space<vmem>> -> memref<200x128xf32, #tpu.memory_space<vmem>>
        %dma_start3A_173 = arith.constant 0 : i32
        %dma_start3A_174 = tpu.memref_slice %arg2[%mul3A_160, %dma_start3A_173] : memref<60000x128xf32, #tpu.memory_space<hbm>> -> memref<200x128xf32, #tpu.memory_space<hbm>>
        tpu.enqueue_dma source(%dma_start3A_174 : memref<200x128xf32, #tpu.memory_space<hbm>>) target(%dma_start3A_172 : memref<200x128xf32, #tpu.memory_space<vmem>>) target_semaphore(%arg6 : memref<!tpu.dma_semaphore, #tpu.memory_space<semaphore_mem>>)
      } else {
      }
      %ge3A = arith.constant 2 : i32
      %ge3A_120 = arith.cmpi sge, %while3A_95, %ge3A : i32
      %convert_element_type3A_121 = arith.extui %ge3A_120 : i1 to i32
      %cond3A_122 = arith.constant 0 : i32
      %cond3A_123 = arith.cmpi ne, %convert_element_type3A_121, %cond3A_122 : i32
      scf.if %cond3A_123 {
        %sub3A_152 = arith.constant 2 : i32
        %sub3A_153 = arith.subi %while3A_95, %sub3A_152 : i32
        %mul3A_154 = arith.constant 32 : i32
        %mul3A_155 = arith.muli %sub3A_153, %mul3A_154 : i32
        %add3A_156 = arith.addi %add3A, %mul3A_155 : i32
        %mul3A_157 = arith.constant 128 : i32
        %mul3A_158 = arith.muli %add3A_156, %mul3A_157 : i32
        %mul3A_159 = arith.constant 25 : i32
        %mul3A_160 = arith.muli %mul3A_158, %mul3A_159 : i32
        %dma_wait3A_161 = arith.constant 0 : i32
        %dma_wait3A_162 = arith.constant 0 : i32
        %dma_wait3A_163 = tpu.memref_slice %arg5[%rem3A_97, %dma_wait3A_161, %dma_wait3A_162] : memref<2x3200x8xf32, #tpu.memory_space<vmem>> -> memref<1x3200x8xf32, #tpu.memory_space<vmem>>
        %dma_wait3A_164 = tpu.memref_squeeze %dma_wait3A_163 : memref<1x3200x8xf32, #tpu.memory_space<vmem>> -> memref<3200x8xf32, #tpu.memory_space<vmem>>
        %dma_wait3A_165 = arith.constant 0 : i32
        %dma_wait3A_166 = tpu.memref_slice %arg3[%mul3A_160, %dma_wait3A_165] : memref<960000x8xf32, #tpu.memory_space<hbm>> -> memref<3200x8xf32, #tpu.memory_space<hbm>>
        %dma_wait3A_167 = arith.constant 0 : i32
        %dma_wait3A_168 = tpu.memref_slice %arg3[%mul3A_160, %dma_wait3A_167] : memref<960000x8xf32, #tpu.memory_space<hbm>> -> memref<3200x8xf32, #tpu.memory_space<hbm>>
        %dma_wait3A_169 = arith.constant 0 : i32
        %dma_wait3A_170 = arith.constant 0 : i32
        %dma_wait3A_171 = tpu.memref_slice %arg5[%rem3A_97, %dma_wait3A_169, %dma_wait3A_170] : memref<2x3200x8xf32, #tpu.memory_space<vmem>> -> memref<1x3200x8xf32, #tpu.memory_space<vmem>>
        %dma_wait3A_172 = tpu.memref_squeeze %dma_wait3A_171 : memref<1x3200x8xf32, #tpu.memory_space<vmem>> -> memref<3200x8xf32, #tpu.memory_space<vmem>>
        tpu.wait_dma2 semaphore(%arg7 : memref<!tpu.dma_semaphore, #tpu.memory_space<semaphore_mem>>) src(%dma_wait3A_172 : memref<3200x8xf32, #tpu.memory_space<vmem>>) dst(%dma_wait3A_168 : memref<3200x8xf32, #tpu.memory_space<hbm>>)
      } else {
      }
      %eq3A = arith.constant 0 : i32
      %eq3A_124 = arith.cmpi eq, %rem3A_97, %eq3A : i32
      %convert_element_type3A_125 = arith.extui %eq3A_124 : i1 to i32
      %cond3A_126 = arith.constant 0 : i32
      %cond3A_127 = arith.cmpi ne, %convert_element_type3A_125, %cond3A_126 : i32
      scf.if %cond3A_127 {
        %scan3A = arith.constant 0 : i32
        %scan3A_152 = arith.constant 0 : i32
        %scan3A_153 = arith.constant 0 : i32
        %scan3A_154 = arith.constant 25 : i32
        %scan3A_155 = arith.addi %scan3A_153, %scan3A_154 : i32
        %scan3A_156 = arith.constant 1 : i32
        scf.for %scan3A_158 = %scan3A_153 to %scan3A_155 step %scan3A_156  : i32 {
          %mul3A_159 = arith.constant 1 : i32
          %mul3A_160 = arith.muli %scan3A_158, %mul3A_159 : i32
          %add3A_161 = arith.constant 0 : i32
          %add3A_162 = arith.addi %add3A_161, %mul3A_160 : i32
          %scan3A_163 = arith.constant 0 : i32
          %scan3A_164 = arith.constant 64 : i32
          %scan3A_165 = arith.addi %scan3A_163, %scan3A_164 : i32
          %scan3A_166 = arith.constant 1 : i32
          scf.for %scan3A_168 = %scan3A_163 to %scan3A_165 step %scan3A_166  : i32 {
            %mul3A_169 = arith.constant 1 : i32
            %mul3A_170 = arith.muli %scan3A_168, %mul3A_169 : i32
            %add3A_171 = arith.constant 0 : i32
            %add3A_172 = arith.addi %add3A_171, %mul3A_170 : i32
            %jit3A_173 = arith.constant 8 : i32
            %div3A_174 = arith.divsi %add3A_172, %jit3A_173 : i32
            %sign3A_175 = arith.constant 0 : i32
            %sign3A_176 = arith.cmpi sgt, %add3A_172, %sign3A_175 : i32
            %sign3A_177 = arith.extui %sign3A_176 : i1 to i32
            %sign3A_178 = arith.constant 0 : i32
            %sign3A_179 = arith.cmpi slt, %add3A_172, %sign3A_178 : i32
            %sign3A_180 = arith.extui %sign3A_179 : i1 to i32
            %sign3A_181 = arith.subi %sign3A_177, %sign3A_180 : i32
            %sign3A_182 = arith.constant 0 : i32
            %sign3A_183 = arith.cmpi sgt, %jit3A_173, %sign3A_182 : i32
            %sign3A_184 = arith.extui %sign3A_183 : i1 to i32
            %sign3A_185 = arith.constant 0 : i32
            %sign3A_186 = arith.cmpi slt, %jit3A_173, %sign3A_185 : i32
            %sign3A_187 = arith.extui %sign3A_186 : i1 to i32
            %sign3A_188 = arith.subi %sign3A_184, %sign3A_187 : i32
            %ne3A_189 = arith.cmpi ne, %sign3A_181, %sign3A_188 : i32
            %rem3A_190 = arith.remsi %add3A_172, %jit3A_173 : i32
            %ne3A_191 = arith.constant 0 : i32
            %ne3A_192 = arith.cmpi ne, %rem3A_190, %ne3A_191 : i32
            %and3A_193 = arith.andi %ne3A_189, %ne3A_192 : i1
            %sub3A_194 = arith.constant 1 : i32
            %sub3A_195 = arith.subi %div3A_174, %sub3A_194 : i32
            %select_n3A_196 = arith.select %and3A_193, %sub3A_195, %div3A_174 : i32
            %jit3A_197 = arith.constant 8 : i32
            %eq3A_198 = arith.constant 0 : i32
            %eq3A_199 = arith.cmpi eq, %jit3A_197, %eq3A_198 : i32
            %jit3A_200 = arith.constant 1 : i32
            %select_n3A_201 = arith.select %eq3A_199, %jit3A_200, %jit3A_197 : i32
            %rem3A_202 = arith.remsi %add3A_172, %select_n3A_201 : i32
            %ne3A_203 = arith.constant 0 : i32
            %ne3A_204 = arith.cmpi ne, %rem3A_202, %ne3A_203 : i32
            %lt3A_205 = arith.constant 0 : i32
            %lt3A_206 = arith.cmpi slt, %rem3A_202, %lt3A_205 : i32
            %lt3A_207 = arith.constant 0 : i32
            %lt3A_208 = arith.cmpi slt, %select_n3A_201, %lt3A_207 : i32
            %ne3A_209 = arith.xori %lt3A_206, %lt3A_208 : i1
            %and3A_210 = arith.andi %ne3A_209, %ne3A_204 : i1
            %add3A_211 = arith.addi %rem3A_202, %select_n3A_201 : i32
            %select_n3A_212 = arith.select %and3A_210, %add3A_211, %rem3A_202 : i32
            %mul3A_213 = arith.constant 8 : i32
            %mul3A_214 = arith.muli %add3A_162, %mul3A_213 : i32
            %add3A_215 = arith.addi %mul3A_214, %select_n3A_196 : i32
            %mul3A_216 = arith.constant 16 : i32
            %mul3A_217 = arith.muli %select_n3A_212, %mul3A_216 : i32
            %get3A = arith.constant 0 : i32
            %get3A_218 = arith.constant 0 : i32
            %get3A_219 = tpu.memref_slice %arg4[%scan3A, %get3A, %get3A_218] : memref<2x200x128xf32, #tpu.memory_space<vmem>> -> memref<1x200x128xf32, #tpu.memory_space<vmem>>
            %get3A_220 = tpu.memref_squeeze %get3A_219 : memref<1x200x128xf32, #tpu.memory_space<vmem>> -> memref<200x128xf32, #tpu.memory_space<vmem>>
            %get3A_221 = arith.index_cast %add3A_215 : i32 to index
            %get3A_222 = arith.index_cast %mul3A_217 : i32 to index
            %get3A_223 = tpu.vector_load %get3A_220[%get3A_221, %get3A_222] {strides = array<i32>} : memref<200x128xf32, #tpu.memory_space<vmem>>, vector<16xf32>,
            %mul3A_224 = arith.constant 128 : i32
            %mul3A_225 = arith.muli %add3A_162, %mul3A_224 : i32
            %mul3A_226 = arith.constant 16 : i32
            %mul3A_227 = arith.muli %select_n3A_212, %mul3A_226 : i32
            %add3A_228 = arith.addi %mul3A_225, %mul3A_227 : i32
            %add3A_229 = vector.broadcast %add3A_228 : i32 to vector<16xi32>
            %add3A_230 = arith.addi %add3A_229, %iota3A : vector<16xi32>
            %broadcast_in_dim3A = vector.broadcast %select_n3A_196 : i32 to vector<16xi32>
            %scatter3A = arith.constant 0 : i32
            %scatter3A_231 = arith.constant 0 : i32
            %scatter3A_232 = tpu.memref_slice %arg5[%scan3A_152, %scatter3A, %scatter3A_231] : memref<2x3200x8xf32, #tpu.memory_space<vmem>> -> memref<1x3200x8xf32, #tpu.memory_space<vmem>>
            %scatter3A_233 = tpu.memref_squeeze %scatter3A_232 : memref<1x3200x8xf32, #tpu.memory_space<vmem>> -> memref<3200x8xf32, #tpu.memory_space<vmem>>
            tpu.vector_store_idx %scatter3A_233[%add3A_230, %broadcast_in_dim3A], %get3A_223 : memref<3200x8xf32, #tpu.memory_space<vmem>>[vector<16xi32>, vector<16xi32>], vector<16xf32>,
          }
          %scan3A_167 = arith.constant 64 : i32
        }
        %scan3A_157 = arith.constant 25 : i32
      } else {
      }
      %eq3A_128 = arith.constant 1 : i32
      %eq3A_129 = arith.cmpi eq, %rem3A_97, %eq3A_128 : i32
      %convert_element_type3A_130 = arith.extui %eq3A_129 : i1 to i32
      %cond3A_131 = arith.constant 0 : i32
      %cond3A_132 = arith.cmpi ne, %convert_element_type3A_130, %cond3A_131 : i32
      scf.if %cond3A_132 {
        %scan3A = arith.constant 1 : i32
        %scan3A_152 = arith.constant 1 : i32
        %scan3A_153 = arith.constant 0 : i32
        %scan3A_154 = arith.constant 25 : i32
        %scan3A_155 = arith.addi %scan3A_153, %scan3A_154 : i32
        %scan3A_156 = arith.constant 1 : i32
        scf.for %scan3A_158 = %scan3A_153 to %scan3A_155 step %scan3A_156  : i32 {
          %mul3A_159 = arith.constant 1 : i32
          %mul3A_160 = arith.muli %scan3A_158, %mul3A_159 : i32
          %add3A_161 = arith.constant 0 : i32
          %add3A_162 = arith.addi %add3A_161, %mul3A_160 : i32
          %scan3A_163 = arith.constant 0 : i32
          %scan3A_164 = arith.constant 64 : i32
          %scan3A_165 = arith.addi %scan3A_163, %scan3A_164 : i32
          %scan3A_166 = arith.constant 1 : i32
          scf.for %scan3A_168 = %scan3A_163 to %scan3A_165 step %scan3A_166  : i32 {
            %mul3A_169 = arith.constant 1 : i32
            %mul3A_170 = arith.muli %scan3A_168, %mul3A_169 : i32
            %add3A_171 = arith.constant 0 : i32
            %add3A_172 = arith.addi %add3A_171, %mul3A_170 : i32
            %jit3A_173 = arith.constant 8 : i32
            %div3A_174 = arith.divsi %add3A_172, %jit3A_173 : i32
            %sign3A_175 = arith.constant 0 : i32
            %sign3A_176 = arith.cmpi sgt, %add3A_172, %sign3A_175 : i32
            %sign3A_177 = arith.extui %sign3A_176 : i1 to i32
            %sign3A_178 = arith.constant 0 : i32
            %sign3A_179 = arith.cmpi slt, %add3A_172, %sign3A_178 : i32
            %sign3A_180 = arith.extui %sign3A_179 : i1 to i32
            %sign3A_181 = arith.subi %sign3A_177, %sign3A_180 : i32
            %sign3A_182 = arith.constant 0 : i32
            %sign3A_183 = arith.cmpi sgt, %jit3A_173, %sign3A_182 : i32
            %sign3A_184 = arith.extui %sign3A_183 : i1 to i32
            %sign3A_185 = arith.constant 0 : i32
            %sign3A_186 = arith.cmpi slt, %jit3A_173, %sign3A_185 : i32
            %sign3A_187 = arith.extui %sign3A_186 : i1 to i32
            %sign3A_188 = arith.subi %sign3A_184, %sign3A_187 : i32
            %ne3A_189 = arith.cmpi ne, %sign3A_181, %sign3A_188 : i32
            %rem3A_190 = arith.remsi %add3A_172, %jit3A_173 : i32
            %ne3A_191 = arith.constant 0 : i32
            %ne3A_192 = arith.cmpi ne, %rem3A_190, %ne3A_191 : i32
            %and3A_193 = arith.andi %ne3A_189, %ne3A_192 : i1
            %sub3A_194 = arith.constant 1 : i32
            %sub3A_195 = arith.subi %div3A_174, %sub3A_194 : i32
            %select_n3A_196 = arith.select %and3A_193, %sub3A_195, %div3A_174 : i32
            %jit3A_197 = arith.constant 8 : i32
            %eq3A_198 = arith.constant 0 : i32
            %eq3A_199 = arith.cmpi eq, %jit3A_197, %eq3A_198 : i32
            %jit3A_200 = arith.constant 1 : i32
            %select_n3A_201 = arith.select %eq3A_199, %jit3A_200, %jit3A_197 : i32
            %rem3A_202 = arith.remsi %add3A_172, %select_n3A_201 : i32
            %ne3A_203 = arith.constant 0 : i32
            %ne3A_204 = arith.cmpi ne, %rem3A_202, %ne3A_203 : i32
            %lt3A_205 = arith.constant 0 : i32
            %lt3A_206 = arith.cmpi slt, %rem3A_202, %lt3A_205 : i32
            %lt3A_207 = arith.constant 0 : i32
            %lt3A_208 = arith.cmpi slt, %select_n3A_201, %lt3A_207 : i32
            %ne3A_209 = arith.xori %lt3A_206, %lt3A_208 : i1
            %and3A_210 = arith.andi %ne3A_209, %ne3A_204 : i1
            %add3A_211 = arith.addi %rem3A_202, %select_n3A_201 : i32
            %select_n3A_212 = arith.select %and3A_210, %add3A_211, %rem3A_202 : i32
            %mul3A_213 = arith.constant 8 : i32
            %mul3A_214 = arith.muli %add3A_162, %mul3A_213 : i32
            %add3A_215 = arith.addi %mul3A_214, %select_n3A_196 : i32
            %mul3A_216 = arith.constant 16 : i32
            %mul3A_217 = arith.muli %select_n3A_212, %mul3A_216 : i32
            %get3A = arith.constant 0 : i32
            %get3A_218 = arith.constant 0 : i32
            %get3A_219 = tpu.memref_slice %arg4[%scan3A, %get3A, %get3A_218] : memref<2x200x128xf32, #tpu.memory_space<vmem>> -> memref<1x200x128xf32, #tpu.memory_space<vmem>>
            %get3A_220 = tpu.memref_squeeze %get3A_219 : memref<1x200x128xf32, #tpu.memory_space<vmem>> -> memref<200x128xf32, #tpu.memory_space<vmem>>
            %get3A_221 = arith.index_cast %add3A_215 : i32 to index
            %get3A_222 = arith.index_cast %mul3A_217 : i32 to index
            %get3A_223 = tpu.vector_load %get3A_220[%get3A_221, %get3A_222] {strides = array<i32>} : memref<200x128xf32, #tpu.memory_space<vmem>>, vector<16xf32>,
            %mul3A_224 = arith.constant 128 : i32
            %mul3A_225 = arith.muli %add3A_162, %mul3A_224 : i32
            %mul3A_226 = arith.constant 16 : i32
            %mul3A_227 = arith.muli %select_n3A_212, %mul3A_226 : i32
            %add3A_228 = arith.addi %mul3A_225, %mul3A_227 : i32
            %add3A_229 = vector.broadcast %add3A_228 : i32 to vector<16xi32>
            %add3A_230 = arith.addi %add3A_229, %iota3A : vector<16xi32>
            %broadcast_in_dim3A = vector.broadcast %select_n3A_196 : i32 to vector<16xi32>
            %scatter3A = arith.constant 0 : i32
            %scatter3A_231 = arith.constant 0 : i32
            %scatter3A_232 = tpu.memref_slice %arg5[%scan3A_152, %scatter3A, %scatter3A_231] : memref<2x3200x8xf32, #tpu.memory_space<vmem>> -> memref<1x3200x8xf32, #tpu.memory_space<vmem>>
            %scatter3A_233 = tpu.memref_squeeze %scatter3A_232 : memref<1x3200x8xf32, #tpu.memory_space<vmem>> -> memref<3200x8xf32, #tpu.memory_space<vmem>>
            tpu.vector_store_idx %scatter3A_233[%add3A_230, %broadcast_in_dim3A], %get3A_223 : memref<3200x8xf32, #tpu.memory_space<vmem>>[vector<16xi32>, vector<16xi32>], vector<16xf32>,
          }
          %scan3A_167 = arith.constant 64 : i32
        }
        %scan3A_157 = arith.constant 25 : i32
      } else {
      }
      %mul3A_133 = arith.constant 32 : i32
      %mul3A_134 = arith.muli %while3A_95, %mul3A_133 : i32
      %add3A_135 = arith.addi %add3A, %mul3A_134 : i32
      %mul3A_136 = arith.constant 128 : i32
      %mul3A_137 = arith.muli %add3A_135, %mul3A_136 : i32
      %mul3A_138 = arith.constant 25 : i32
      %mul3A_139 = arith.muli %mul3A_137, %mul3A_138 : i32
      %dma_start3A_140 = arith.constant 0 : i32
      %dma_start3A_141 = arith.constant 0 : i32
      %dma_start3A_142 = tpu.memref_slice %arg5[%rem3A_97, %dma_start3A_140, %dma_start3A_141] : memref<2x3200x8xf32, #tpu.memory_space<vmem>> -> memref<1x3200x8xf32, #tpu.memory_space<vmem>>
      %dma_start3A_143 = tpu.memref_squeeze %dma_start3A_142 : memref<1x3200x8xf32, #tpu.memory_space<vmem>> -> memref<3200x8xf32, #tpu.memory_space<vmem>>
      %dma_start3A_144 = arith.constant 0 : i32
      %dma_start3A_145 = tpu.memref_slice %arg3[%mul3A_139, %dma_start3A_144] : memref<960000x8xf32, #tpu.memory_space<hbm>> -> memref<3200x8xf32, #tpu.memory_space<hbm>>
      %dma_start3A_146 = arith.constant 0 : i32
      %dma_start3A_147 = tpu.memref_slice %arg3[%mul3A_139, %dma_start3A_146] : memref<960000x8xf32, #tpu.memory_space<hbm>> -> memref<3200x8xf32, #tpu.memory_space<hbm>>
      %dma_start3A_148 = arith.constant 0 : i32
      %dma_start3A_149 = arith.constant 0 : i32
      %dma_start3A_150 = tpu.memref_slice %arg5[%rem3A_97, %dma_start3A_148, %dma_start3A_149] : memref<2x3200x8xf32, #tpu.memory_space<vmem>> -> memref<1x3200x8xf32, #tpu.memory_space<vmem>>
      %dma_start3A_151 = tpu.memref_squeeze %dma_start3A_150 : memref<1x3200x8xf32, #tpu.memory_space<vmem>> -> memref<3200x8xf32, #tpu.memory_space<vmem>>
      tpu.enqueue_dma source(%dma_start3A_151 : memref<3200x8xf32, #tpu.memory_space<vmem>>) target(%dma_start3A_147 : memref<3200x8xf32, #tpu.memory_space<hbm>>) target_semaphore(%arg7 : memref<!tpu.dma_semaphore, #tpu.memory_space<semaphore_mem>>)
    }
    %while3A_47 = arith.constant 1 : i32
    scf.for %while3A_95 = %while3A_45 to %while3A_41 step %while3A_47  : i32 {
      %rem3A_96 = arith.constant 2 : i32
      %rem3A_97 = arith.remsi %while3A_95, %rem3A_96 : i32
      %mul3A_98 = arith.constant 32 : i32
      %mul3A_99 = arith.muli %while3A_95, %mul3A_98 : i32
      %add3A_100 = arith.addi %add3A, %mul3A_99 : i32
      %mul3A_101 = arith.constant 8 : i32
      %mul3A_102 = arith.muli %add3A_100, %mul3A_101 : i32
      %mul3A_103 = arith.constant 25 : i32
      %mul3A_104 = arith.muli %mul3A_102, %mul3A_103 : i32
      %dma_wait3A_105 = arith.constant 0 : i32
      %dma_wait3A_106 = arith.constant 0 : i32
      %dma_wait3A_107 = tpu.memref_slice %arg4[%rem3A_97, %dma_wait3A_105, %dma_wait3A_106] : memref<2x200x128xf32, #tpu.memory_space<vmem>> -> memref<1x200x128xf32, #tpu.memory_space<vmem>>
      %dma_wait3A_108 = tpu.memref_squeeze %dma_wait3A_107 : memref<1x200x128xf32, #tpu.memory_space<vmem>> -> memref<200x128xf32, #tpu.memory_space<vmem>>
      %dma_wait3A_109 = arith.constant 0 : i32
      %dma_wait3A_110 = tpu.memref_slice %arg2[%mul3A_104, %dma_wait3A_109] : memref<60000x128xf32, #tpu.memory_space<hbm>> -> memref<200x128xf32, #tpu.memory_space<hbm>>
      %dma_wait3A_111 = arith.constant 0 : i32
      %dma_wait3A_112 = arith.constant 0 : i32
      %dma_wait3A_113 = tpu.memref_slice %arg4[%rem3A_97, %dma_wait3A_111, %dma_wait3A_112] : memref<2x200x128xf32, #tpu.memory_space<vmem>> -> memref<1x200x128xf32, #tpu.memory_space<vmem>>
      %dma_wait3A_114 = tpu.memref_squeeze %dma_wait3A_113 : memref<1x200x128xf32, #tpu.memory_space<vmem>> -> memref<200x128xf32, #tpu.memory_space<vmem>>
      %dma_wait3A_115 = arith.constant 0 : i32
      %dma_wait3A_116 = tpu.memref_slice %arg2[%mul3A_104, %dma_wait3A_115] : memref<60000x128xf32, #tpu.memory_space<hbm>> -> memref<200x128xf32, #tpu.memory_space<hbm>>
      tpu.wait_dma2 semaphore(%arg6 : memref<!tpu.dma_semaphore, #tpu.memory_space<semaphore_mem>>) src(%dma_wait3A_116 : memref<200x128xf32, #tpu.memory_space<hbm>>) dst(%dma_wait3A_114 : memref<200x128xf32, #tpu.memory_space<vmem>>)
      %add3A_117 = arith.constant 1 : i32
      %add3A_118 = arith.addi %while3A_95, %add3A_117 : i32
      %lt3A = arith.cmpi slt, %add3A_118, %add3A_20 : i32
      %convert_element_type3A = arith.extui %lt3A : i1 to i32
      %cond3A = arith.constant 0 : i32
      %cond3A_119 = arith.cmpi ne, %convert_element_type3A, %cond3A : i32
      scf.if %cond3A_119 {
        %add3A_152 = arith.constant 1 : i32
        %add3A_153 = arith.addi %while3A_95, %add3A_152 : i32
        %mul3A_154 = arith.constant 32 : i32
        %mul3A_155 = arith.muli %add3A_153, %mul3A_154 : i32
        %add3A_156 = arith.addi %add3A, %mul3A_155 : i32
        %mul3A_157 = arith.constant 8 : i32
        %mul3A_158 = arith.muli %add3A_156, %mul3A_157 : i32
        %mul3A_159 = arith.constant 25 : i32
        %mul3A_160 = arith.muli %mul3A_158, %mul3A_159 : i32
        %sub3A_161 = arith.constant 1 : i32
        %sub3A_162 = arith.subi %sub3A_161, %rem3A_97 : i32
        %dma_start3A_163 = arith.constant 0 : i32
        %dma_start3A_164 = arith.constant 0 : i32
        %dma_start3A_165 = tpu.memref_slice %arg4[%sub3A_162, %dma_start3A_163, %dma_start3A_164] : memref<2x200x128xf32, #tpu.memory_space<vmem>> -> memref<1x200x128xf32, #tpu.memory_space<vmem>>
        %dma_start3A_166 = tpu.memref_squeeze %dma_start3A_165 : memref<1x200x128xf32, #tpu.memory_space<vmem>> -> memref<200x128xf32, #tpu.memory_space<vmem>>
        %dma_start3A_167 = arith.constant 0 : i32
        %dma_start3A_168 = tpu.memref_slice %arg2[%mul3A_160, %dma_start3A_167] : memref<60000x128xf32, #tpu.memory_space<hbm>> -> memref<200x128xf32, #tpu.memory_space<hbm>>
        %dma_start3A_169 = arith.constant 0 : i32
        %dma_start3A_170 = arith.constant 0 : i32
        %dma_start3A_171 = tpu.memref_slice %arg4[%sub3A_162, %dma_start3A_169, %dma_start3A_170] : memref<2x200x128xf32, #tpu.memory_space<vmem>> -> memref<1x200x128xf32, #tpu.memory_space<vmem>>
        %dma_start3A_172 = tpu.memref_squeeze %dma_start3A_171 : memref<1x200x128xf32, #tpu.memory_space<vmem>> -> memref<200x128xf32, #tpu.memory_space<vmem>>
        %dma_start3A_173 = arith.constant 0 : i32
        %dma_start3A_174 = tpu.memref_slice %arg2[%mul3A_160, %dma_start3A_173] : memref<60000x128xf32, #tpu.memory_space<hbm>> -> memref<200x128xf32, #tpu.memory_space<hbm>>
        tpu.enqueue_dma source(%dma_start3A_174 : memref<200x128xf32, #tpu.memory_space<hbm>>) target(%dma_start3A_172 : memref<200x128xf32, #tpu.memory_space<vmem>>) target_semaphore(%arg6 : memref<!tpu.dma_semaphore, #tpu.memory_space<semaphore_mem>>)
      } else {
      }
      %ge3A = arith.constant 2 : i32
      %ge3A_120 = arith.cmpi sge, %while3A_95, %ge3A : i32
      %convert_element_type3A_121 = arith.extui %ge3A_120 : i1 to i32
      %cond3A_122 = arith.constant 0 : i32
      %cond3A_123 = arith.cmpi ne, %convert_element_type3A_121, %cond3A_122 : i32
      scf.if %cond3A_123 {
        %sub3A_152 = arith.constant 2 : i32
        %sub3A_153 = arith.subi %while3A_95, %sub3A_152 : i32
        %mul3A_154 = arith.constant 32 : i32
        %mul3A_155 = arith.muli %sub3A_153, %mul3A_154 : i32
        %add3A_156 = arith.addi %add3A, %mul3A_155 : i32
        %mul3A_157 = arith.constant 128 : i32
        %mul3A_158 = arith.muli %add3A_156, %mul3A_157 : i32
        %mul3A_159 = arith.constant 25 : i32
        %mul3A_160 = arith.muli %mul3A_158, %mul3A_159 : i32
        %dma_wait3A_161 = arith.constant 0 : i32
        %dma_wait3A_162 = arith.constant 0 : i32
        %dma_wait3A_163 = tpu.memref_slice %arg5[%rem3A_97, %dma_wait3A_161, %dma_wait3A_162] : memref<2x3200x8xf32, #tpu.memory_space<vmem>> -> memref<1x3200x8xf32, #tpu.memory_space<vmem>>
        %dma_wait3A_164 = tpu.memref_squeeze %dma_wait3A_163 : memref<1x3200x8xf32, #tpu.memory_space<vmem>> -> memref<3200x8xf32, #tpu.memory_space<vmem>>
        %dma_wait3A_165 = arith.constant 0 : i32
        %dma_wait3A_166 = tpu.memref_slice %arg3[%mul3A_160, %dma_wait3A_165] : memref<960000x8xf32, #tpu.memory_space<hbm>> -> memref<3200x8xf32, #tpu.memory_space<hbm>>
        %dma_wait3A_167 = arith.constant 0 : i32
        %dma_wait3A_168 = tpu.memref_slice %arg3[%mul3A_160, %dma_wait3A_167] : memref<960000x8xf32, #tpu.memory_space<hbm>> -> memref<3200x8xf32, #tpu.memory_space<hbm>>
        %dma_wait3A_169 = arith.constant 0 : i32
        %dma_wait3A_170 = arith.constant 0 : i32
        %dma_wait3A_171 = tpu.memref_slice %arg5[%rem3A_97, %dma_wait3A_169, %dma_wait3A_170] : memref<2x3200x8xf32, #tpu.memory_space<vmem>> -> memref<1x3200x8xf32, #tpu.memory_space<vmem>>
        %dma_wait3A_172 = tpu.memref_squeeze %dma_wait3A_171 : memref<1x3200x8xf32, #tpu.memory_space<vmem>> -> memref<3200x8xf32, #tpu.memory_space<vmem>>
        tpu.wait_dma2 semaphore(%arg7 : memref<!tpu.dma_semaphore, #tpu.memory_space<semaphore_mem>>) src(%dma_wait3A_172 : memref<3200x8xf32, #tpu.memory_space<vmem>>) dst(%dma_wait3A_168 : memref<3200x8xf32, #tpu.memory_space<hbm>>)
      } else {
      }
      %eq3A = arith.constant 0 : i32
      %eq3A_124 = arith.cmpi eq, %rem3A_97, %eq3A : i32
      %convert_element_type3A_125 = arith.extui %eq3A_124 : i1 to i32
      %cond3A_126 = arith.constant 0 : i32
      %cond3A_127 = arith.cmpi ne, %convert_element_type3A_125, %cond3A_126 : i32
      scf.if %cond3A_127 {
        %scan3A = arith.constant 0 : i32
        %scan3A_152 = arith.constant 0 : i32
        %scan3A_153 = arith.constant 0 : i32
        %scan3A_154 = arith.constant 25 : i32
        %scan3A_155 = arith.addi %scan3A_153, %scan3A_154 : i32
        %scan3A_156 = arith.constant 1 : i32
        scf.for %scan3A_158 = %scan3A_153 to %scan3A_155 step %scan3A_156  : i32 {
          %mul3A_159 = arith.constant 1 : i32
          %mul3A_160 = arith.muli %scan3A_158, %mul3A_159 : i32
          %add3A_161 = arith.constant 0 : i32
          %add3A_162 = arith.addi %add3A_161, %mul3A_160 : i32
          %scan3A_163 = arith.constant 0 : i32
          %scan3A_164 = arith.constant 64 : i32
          %scan3A_165 = arith.addi %scan3A_163, %scan3A_164 : i32
          %scan3A_166 = arith.constant 1 : i32
          scf.for %scan3A_168 = %scan3A_163 to %scan3A_165 step %scan3A_166  : i32 {
            %mul3A_169 = arith.constant 1 : i32
            %mul3A_170 = arith.muli %scan3A_168, %mul3A_169 : i32
            %add3A_171 = arith.constant 0 : i32
            %add3A_172 = arith.addi %add3A_171, %mul3A_170 : i32
            %jit3A_173 = arith.constant 8 : i32
            %div3A_174 = arith.divsi %add3A_172, %jit3A_173 : i32
            %sign3A_175 = arith.constant 0 : i32
            %sign3A_176 = arith.cmpi sgt, %add3A_172, %sign3A_175 : i32
            %sign3A_177 = arith.extui %sign3A_176 : i1 to i32
            %sign3A_178 = arith.constant 0 : i32
            %sign3A_179 = arith.cmpi slt, %add3A_172, %sign3A_178 : i32
            %sign3A_180 = arith.extui %sign3A_179 : i1 to i32
            %sign3A_181 = arith.subi %sign3A_177, %sign3A_180 : i32
            %sign3A_182 = arith.constant 0 : i32
            %sign3A_183 = arith.cmpi sgt, %jit3A_173, %sign3A_182 : i32
            %sign3A_184 = arith.extui %sign3A_183 : i1 to i32
            %sign3A_185 = arith.constant 0 : i32
            %sign3A_186 = arith.cmpi slt, %jit3A_173, %sign3A_185 : i32
            %sign3A_187 = arith.extui %sign3A_186 : i1 to i32
            %sign3A_188 = arith.subi %sign3A_184, %sign3A_187 : i32
            %ne3A_189 = arith.cmpi ne, %sign3A_181, %sign3A_188 : i32
            %rem3A_190 = arith.remsi %add3A_172, %jit3A_173 : i32
            %ne3A_191 = arith.constant 0 : i32
            %ne3A_192 = arith.cmpi ne, %rem3A_190, %ne3A_191 : i32
            %and3A_193 = arith.andi %ne3A_189, %ne3A_192 : i1
            %sub3A_194 = arith.constant 1 : i32
            %sub3A_195 = arith.subi %div3A_174, %sub3A_194 : i32
            %select_n3A_196 = arith.select %and3A_193, %sub3A_195, %div3A_174 : i32
            %jit3A_197 = arith.constant 8 : i32
            %eq3A_198 = arith.constant 0 : i32
            %eq3A_199 = arith.cmpi eq, %jit3A_197, %eq3A_198 : i32
            %jit3A_200 = arith.constant 1 : i32
            %select_n3A_201 = arith.select %eq3A_199, %jit3A_200, %jit3A_197 : i32
            %rem3A_202 = arith.remsi %add3A_172, %select_n3A_201 : i32
            %ne3A_203 = arith.constant 0 : i32
            %ne3A_204 = arith.cmpi ne, %rem3A_202, %ne3A_203 : i32
            %lt3A_205 = arith.constant 0 : i32
            %lt3A_206 = arith.cmpi slt, %rem3A_202, %lt3A_205 : i32
            %lt3A_207 = arith.constant 0 : i32
            %lt3A_208 = arith.cmpi slt, %select_n3A_201, %lt3A_207 : i32
            %ne3A_209 = arith.xori %lt3A_206, %lt3A_208 : i1
            %and3A_210 = arith.andi %ne3A_209, %ne3A_204 : i1
            %add3A_211 = arith.addi %rem3A_202, %select_n3A_201 : i32
            %select_n3A_212 = arith.select %and3A_210, %add3A_211, %rem3A_202 : i32
            %mul3A_213 = arith.constant 8 : i32
            %mul3A_214 = arith.muli %add3A_162, %mul3A_213 : i32
            %add3A_215 = arith.addi %mul3A_214, %select_n3A_196 : i32
            %mul3A_216 = arith.constant 16 : i32
            %mul3A_217 = arith.muli %select_n3A_212, %mul3A_216 : i32
            %get3A = arith.constant 0 : i32
            %get3A_218 = arith.constant 0 : i32
            %get3A_219 = tpu.memref_slice %arg4[%scan3A, %get3A, %get3A_218] : memref<2x200x128xf32, #tpu.memory_space<vmem>> -> memref<1x200x128xf32, #tpu.memory_space<vmem>>
            %get3A_220 = tpu.memref_squeeze %get3A_219 : memref<1x200x128xf32, #tpu.memory_space<vmem>> -> memref<200x128xf32, #tpu.memory_space<vmem>>
            %get3A_221 = arith.index_cast %add3A_215 : i32 to index
            %get3A_222 = arith.index_cast %mul3A_217 : i32 to index
            %get3A_223 = tpu.vector_load %get3A_220[%get3A_221, %get3A_222] {strides = array<i32>} : memref<200x128xf32, #tpu.memory_space<vmem>>, vector<16xf32>,
            %mul3A_224 = arith.constant 128 : i32
            %mul3A_225 = arith.muli %add3A_162, %mul3A_224 : i32
            %mul3A_226 = arith.constant 16 : i32
            %mul3A_227 = arith.muli %select_n3A_212, %mul3A_226 : i32
            %add3A_228 = arith.addi %mul3A_225, %mul3A_227 : i32
            %add3A_229 = vector.broadcast %add3A_228 : i32 to vector<16xi32>
            %add3A_230 = arith.addi %add3A_229, %iota3A : vector<16xi32>
            %broadcast_in_dim3A = vector.broadcast %select_n3A_196 : i32 to vector<16xi32>
            %scatter3A = arith.constant 0 : i32
            %scatter3A_231 = arith.constant 0 : i32
            %scatter3A_232 = tpu.memref_slice %arg5[%scan3A_152, %scatter3A, %scatter3A_231] : memref<2x3200x8xf32, #tpu.memory_space<vmem>> -> memref<1x3200x8xf32, #tpu.memory_space<vmem>>
            %scatter3A_233 = tpu.memref_squeeze %scatter3A_232 : memref<1x3200x8xf32, #tpu.memory_space<vmem>> -> memref<3200x8xf32, #tpu.memory_space<vmem>>
            tpu.vector_store_idx %scatter3A_233[%add3A_230, %broadcast_in_dim3A], %get3A_223 : memref<3200x8xf32, #tpu.memory_space<vmem>>[vector<16xi32>, vector<16xi32>], vector<16xf32>,
          }
          %scan3A_167 = arith.constant 64 : i32
        }
        %scan3A_157 = arith.constant 25 : i32
      } else {
      }
      %eq3A_128 = arith.constant 1 : i32
      %eq3A_129 = arith.cmpi eq, %rem3A_97, %eq3A_128 : i32
      %convert_element_type3A_130 = arith.extui %eq3A_129 : i1 to i32
      %cond3A_131 = arith.constant 0 : i32
      %cond3A_132 = arith.cmpi ne, %convert_element_type3A_130, %cond3A_131 : i32
      scf.if %cond3A_132 {
        %scan3A = arith.constant 1 : i32
        %scan3A_152 = arith.constant 1 : i32
        %scan3A_153 = arith.constant 0 : i32
        %scan3A_154 = arith.constant 25 : i32
        %scan3A_155 = arith.addi %scan3A_153, %scan3A_154 : i32
        %scan3A_156 = arith.constant 1 : i32
        scf.for %scan3A_158 = %scan3A_153 to %scan3A_155 step %scan3A_156  : i32 {
          %mul3A_159 = arith.constant 1 : i32
          %mul3A_160 = arith.muli %scan3A_158, %mul3A_159 : i32
          %add3A_161 = arith.constant 0 : i32
          %add3A_162 = arith.addi %add3A_161, %mul3A_160 : i32
          %scan3A_163 = arith.constant 0 : i32
          %scan3A_164 = arith.constant 64 : i32
          %scan3A_165 = arith.addi %scan3A_163, %scan3A_164 : i32
          %scan3A_166 = arith.constant 1 : i32
          scf.for %scan3A_168 = %scan3A_163 to %scan3A_165 step %scan3A_166  : i32 {
            %mul3A_169 = arith.constant 1 : i32
            %mul3A_170 = arith.muli %scan3A_168, %mul3A_169 : i32
            %add3A_171 = arith.constant 0 : i32
            %add3A_172 = arith.addi %add3A_171, %mul3A_170 : i32
            %jit3A_173 = arith.constant 8 : i32
            %div3A_174 = arith.divsi %add3A_172, %jit3A_173 : i32
            %sign3A_175 = arith.constant 0 : i32
            %sign3A_176 = arith.cmpi sgt, %add3A_172, %sign3A_175 : i32
            %sign3A_177 = arith.extui %sign3A_176 : i1 to i32
            %sign3A_178 = arith.constant 0 : i32
            %sign3A_179 = arith.cmpi slt, %add3A_172, %sign3A_178 : i32
            %sign3A_180 = arith.extui %sign3A_179 : i1 to i32
            %sign3A_181 = arith.subi %sign3A_177, %sign3A_180 : i32
            %sign3A_182 = arith.constant 0 : i32
            %sign3A_183 = arith.cmpi sgt, %jit3A_173, %sign3A_182 : i32
            %sign3A_184 = arith.extui %sign3A_183 : i1 to i32
            %sign3A_185 = arith.constant 0 : i32
            %sign3A_186 = arith.cmpi slt, %jit3A_173, %sign3A_185 : i32
            %sign3A_187 = arith.extui %sign3A_186 : i1 to i32
            %sign3A_188 = arith.subi %sign3A_184, %sign3A_187 : i32
            %ne3A_189 = arith.cmpi ne, %sign3A_181, %sign3A_188 : i32
            %rem3A_190 = arith.remsi %add3A_172, %jit3A_173 : i32
            %ne3A_191 = arith.constant 0 : i32
            %ne3A_192 = arith.cmpi ne, %rem3A_190, %ne3A_191 : i32
            %and3A_193 = arith.andi %ne3A_189, %ne3A_192 : i1
            %sub3A_194 = arith.constant 1 : i32
            %sub3A_195 = arith.subi %div3A_174, %sub3A_194 : i32
            %select_n3A_196 = arith.select %and3A_193, %sub3A_195, %div3A_174 : i32
            %jit3A_197 = arith.constant 8 : i32
            %eq3A_198 = arith.constant 0 : i32
            %eq3A_199 = arith.cmpi eq, %jit3A_197, %eq3A_198 : i32
            %jit3A_200 = arith.constant 1 : i32
            %select_n3A_201 = arith.select %eq3A_199, %jit3A_200, %jit3A_197 : i32
            %rem3A_202 = arith.remsi %add3A_172, %select_n3A_201 : i32
            %ne3A_203 = arith.constant 0 : i32
            %ne3A_204 = arith.cmpi ne, %rem3A_202, %ne3A_203 : i32
            %lt3A_205 = arith.constant 0 : i32
            %lt3A_206 = arith.cmpi slt, %rem3A_202, %lt3A_205 : i32
            %lt3A_207 = arith.constant 0 : i32
            %lt3A_208 = arith.cmpi slt, %select_n3A_201, %lt3A_207 : i32
            %ne3A_209 = arith.xori %lt3A_206, %lt3A_208 : i1
            %and3A_210 = arith.andi %ne3A_209, %ne3A_204 : i1
            %add3A_211 = arith.addi %rem3A_202, %select_n3A_201 : i32
            %select_n3A_212 = arith.select %and3A_210, %add3A_211, %rem3A_202 : i32
            %mul3A_213 = arith.constant 8 : i32
            %mul3A_214 = arith.muli %add3A_162, %mul3A_213 : i32
            %add3A_215 = arith.addi %mul3A_214, %select_n3A_196 : i32
            %mul3A_216 = arith.constant 16 : i32
            %mul3A_217 = arith.muli %select_n3A_212, %mul3A_216 : i32
            %get3A = arith.constant 0 : i32
            %get3A_218 = arith.constant 0 : i32
            %get3A_219 = tpu.memref_slice %arg4[%scan3A, %get3A, %get3A_218] : memref<2x200x128xf32, #tpu.memory_space<vmem>> -> memref<1x200x128xf32, #tpu.memory_space<vmem>>
            %get3A_220 = tpu.memref_squeeze %get3A_219 : memref<1x200x128xf32, #tpu.memory_space<vmem>> -> memref<200x128xf32, #tpu.memory_space<vmem>>
            %get3A_221 = arith.index_cast %add3A_215 : i32 to index
            %get3A_222 = arith.index_cast %mul3A_217 : i32 to index
            %get3A_223 = tpu.vector_load %get3A_220[%get3A_221, %get3A_222] {strides = array<i32>} : memref<200x128xf32, #tpu.memory_space<vmem>>, vector<16xf32>,
            %mul3A_224 = arith.constant 128 : i32
            %mul3A_225 = arith.muli %add3A_162, %mul3A_224 : i32
            %mul3A_226 = arith.constant 16 : i32
            %mul3A_227 = arith.muli %select_n3A_212, %mul3A_226 : i32
            %add3A_228 = arith.addi %mul3A_225, %mul3A_227 : i32
            %add3A_229 = vector.broadcast %add3A_228 : i32 to vector<16xi32>
            %add3A_230 = arith.addi %add3A_229, %iota3A : vector<16xi32>
            %broadcast_in_dim3A = vector.broadcast %select_n3A_196 : i32 to vector<16xi32>
            %scatter3A = arith.constant 0 : i32
            %scatter3A_231 = arith.constant 0 : i32
            %scatter3A_232 = tpu.memref_slice %arg5[%scan3A_152, %scatter3A, %scatter3A_231] : memref<2x3200x8xf32, #tpu.memory_space<vmem>> -> memref<1x3200x8xf32, #tpu.memory_space<vmem>>
            %scatter3A_233 = tpu.memref_squeeze %scatter3A_232 : memref<1x3200x8xf32, #tpu.memory_space<vmem>> -> memref<3200x8xf32, #tpu.memory_space<vmem>>
            tpu.vector_store_idx %scatter3A_233[%add3A_230, %broadcast_in_dim3A], %get3A_223 : memref<3200x8xf32, #tpu.memory_space<vmem>>[vector<16xi32>, vector<16xi32>], vector<16xf32>,
          }
          %scan3A_167 = arith.constant 64 : i32
        }
        %scan3A_157 = arith.constant 25 : i32
      } else {
      }
      %mul3A_133 = arith.constant 32 : i32
      %mul3A_134 = arith.muli %while3A_95, %mul3A_133 : i32
      %add3A_135 = arith.addi %add3A, %mul3A_134 : i32
      %mul3A_136 = arith.constant 128 : i32
      %mul3A_137 = arith.muli %add3A_135, %mul3A_136 : i32
      %mul3A_138 = arith.constant 25 : i32
      %mul3A_139 = arith.muli %mul3A_137, %mul3A_138 : i32
      %dma_start3A_140 = arith.constant 0 : i32
      %dma_start3A_141 = arith.constant 0 : i32
      %dma_start3A_142 = tpu.memref_slice %arg5[%rem3A_97, %dma_start3A_140, %dma_start3A_141] : memref<2x3200x8xf32, #tpu.memory_space<vmem>> -> memref<1x3200x8xf32, #tpu.memory_space<vmem>>
      %dma_start3A_143 = tpu.memref_squeeze %dma_start3A_142 : memref<1x3200x8xf32, #tpu.memory_space<vmem>> -> memref<3200x8xf32, #tpu.memory_space<vmem>>
      %dma_start3A_144 = arith.constant 0 : i32
      %dma_start3A_145 = tpu.memref_slice %arg3[%mul3A_139, %dma_start3A_144] : memref<960000x8xf32, #tpu.memory_space<hbm>> -> memref<3200x8xf32, #tpu.memory_space<hbm>>
      %dma_start3A_146 = arith.constant 0 : i32
      %dma_start3A_147 = tpu.memref_slice %arg3[%mul3A_139, %dma_start3A_146] : memref<960000x8xf32, #tpu.memory_space<hbm>> -> memref<3200x8xf32, #tpu.memory_space<hbm>>
      %dma_start3A_148 = arith.constant 0 : i32
      %dma_start3A_149 = arith.constant 0 : i32
      %dma_start3A_150 = tpu.memref_slice %arg5[%rem3A_97, %dma_start3A_148, %dma_start3A_149] : memref<2x3200x8xf32, #tpu.memory_space<vmem>> -> memref<1x3200x8xf32, #tpu.memory_space<vmem>>
      %dma_start3A_151 = tpu.memref_squeeze %dma_start3A_150 : memref<1x3200x8xf32, #tpu.memory_space<vmem>> -> memref<3200x8xf32, #tpu.memory_space<vmem>>
      tpu.enqueue_dma source(%dma_start3A_151 : memref<3200x8xf32, #tpu.memory_space<vmem>>) target(%dma_start3A_147 : memref<3200x8xf32, #tpu.memory_space<hbm>>) target_semaphore(%arg7 : memref<!tpu.dma_semaphore, #tpu.memory_space<semaphore_mem>>)
    }
    %rem3A_48 = arith.constant 2 : i32
    %rem3A_49 = arith.remsi %add3A_20, %rem3A_48 : i32
    %sub3A_50 = arith.constant 2 : i32
    %sub3A_51 = arith.subi %add3A_20, %sub3A_50 : i32
    %mul3A_52 = arith.constant 32 : i32
    %mul3A_53 = arith.muli %sub3A_51, %mul3A_52 : i32
    %add3A_54 = arith.addi %add3A, %mul3A_53 : i32
    %mul3A_55 = arith.constant 128 : i32
    %mul3A_56 = arith.muli %add3A_54, %mul3A_55 : i32
    %mul3A_57 = arith.constant 25 : i32
    %mul3A_58 = arith.muli %mul3A_56, %mul3A_57 : i32
    %dma_wait3A = arith.constant 0 : i32
    %dma_wait3A_59 = arith.constant 0 : i32
    %dma_wait3A_60 = tpu.memref_slice %arg5[%rem3A_49, %dma_wait3A, %dma_wait3A_59] : memref<2x3200x8xf32, #tpu.memory_space<vmem>> -> memref<1x3200x8xf32, #tpu.memory_space<vmem>>
    %dma_wait3A_61 = tpu.memref_squeeze %dma_wait3A_60 : memref<1x3200x8xf32, #tpu.memory_space<vmem>> -> memref<3200x8xf32, #tpu.memory_space<vmem>>
    %dma_wait3A_62 = arith.constant 0 : i32
    %dma_wait3A_63 = tpu.memref_slice %arg3[%mul3A_58, %dma_wait3A_62] : memref<960000x8xf32, #tpu.memory_space<hbm>> -> memref<3200x8xf32, #tpu.memory_space<hbm>>
    %dma_wait3A_64 = arith.constant 0 : i32
    %dma_wait3A_65 = tpu.memref_slice %arg3[%mul3A_58, %dma_wait3A_64] : memref<960000x8xf32, #tpu.memory_space<hbm>> -> memref<3200x8xf32, #tpu.memory_space<hbm>>
    %dma_wait3A_66 = arith.constant 0 : i32
    %dma_wait3A_67 = arith.constant 0 : i32
    %dma_wait3A_68 = tpu.memref_slice %arg5[%rem3A_49, %dma_wait3A_66, %dma_wait3A_67] : memref<2x3200x8xf32, #tpu.memory_space<vmem>> -> memref<1x3200x8xf32, #tpu.memory_space<vmem>>
    %dma_wait3A_69 = tpu.memref_squeeze %dma_wait3A_68 : memref<1x3200x8xf32, #tpu.memory_space<vmem>> -> memref<3200x8xf32, #tpu.memory_space<vmem>>
    tpu.wait_dma2 semaphore(%arg7 : memref<!tpu.dma_semaphore, #tpu.memory_space<semaphore_mem>>) src(%dma_wait3A_69 : memref<3200x8xf32, #tpu.memory_space<vmem>>) dst(%dma_wait3A_65 : memref<3200x8xf32, #tpu.memory_space<hbm>>)
    %sub3A_70 = arith.constant 1 : i32
    %sub3A_71 = arith.subi %add3A_20, %sub3A_70 : i32
    %rem3A_72 = arith.constant 2 : i32
    %rem3A_73 = arith.remsi %sub3A_71, %rem3A_72 : i32
    %sub3A_74 = arith.constant 1 : i32
    %sub3A_75 = arith.subi %add3A_20, %sub3A_74 : i32
    %mul3A_76 = arith.constant 32 : i32
    %mul3A_77 = arith.muli %sub3A_75, %mul3A_76 : i32
    %add3A_78 = arith.addi %add3A, %mul3A_77 : i32
    %mul3A_79 = arith.constant 128 : i32
    %mul3A_80 = arith.muli %add3A_78, %mul3A_79 : i32
    %mul3A_81 = arith.constant 25 : i32
    %mul3A_82 = arith.muli %mul3A_80, %mul3A_81 : i32
    %dma_wait3A_83 = arith.constant 0 : i32
    %dma_wait3A_84 = arith.constant 0 : i32
    %dma_wait3A_85 = tpu.memref_slice %arg5[%rem3A_73, %dma_wait3A_83, %dma_wait3A_84] : memref<2x3200x8xf32, #tpu.memory_space<vmem>> -> memref<1x3200x8xf32, #tpu.memory_space<vmem>>
    %dma_wait3A_86 = tpu.memref_squeeze %dma_wait3A_85 : memref<1x3200x8xf32, #tpu.memory_space<vmem>> -> memref<3200x8xf32, #tpu.memory_space<vmem>>
    %dma_wait3A_87 = arith.constant 0 : i32
    %dma_wait3A_88 = tpu.memref_slice %arg3[%mul3A_82, %dma_wait3A_87] : memref<960000x8xf32, #tpu.memory_space<hbm>> -> memref<3200x8xf32, #tpu.memory_space<hbm>>
    %dma_wait3A_89 = arith.constant 0 : i32
    %dma_wait3A_90 = tpu.memref_slice %arg3[%mul3A_82, %dma_wait3A_89] : memref<960000x8xf32, #tpu.memory_space<hbm>> -> memref<3200x8xf32, #tpu.memory_space<hbm>>
    %dma_wait3A_91 = arith.constant 0 : i32
    %dma_wait3A_92 = arith.constant 0 : i32
    %dma_wait3A_93 = tpu.memref_slice %arg5[%rem3A_73, %dma_wait3A_91, %dma_wait3A_92] : memref<2x3200x8xf32, #tpu.memory_space<vmem>> -> memref<1x3200x8xf32, #tpu.memory_space<vmem>>
    %dma_wait3A_94 = tpu.memref_squeeze %dma_wait3A_93 : memref<1x3200x8xf32, #tpu.memory_space<vmem>> -> memref<3200x8xf32, #tpu.memory_space<vmem>>
    tpu.wait_dma2 semaphore(%arg7 : memref<!tpu.dma_semaphore, #tpu.memory_space<semaphore_mem>>) src(%dma_wait3A_94 : memref<3200x8xf32, #tpu.memory_space<vmem>>) dst(%dma_wait3A_90 : memref<3200x8xf32, #tpu.memory_space<hbm>>)
    return
  }
}

#map = affine_map<(d0, d1) -> (0)>
#map1 = affine_map<(d0, d1) -> (0, 0)>
module attributes {stable_mosaic.version = 14 : i64} {
  func.func @_sc_gather_e2(%arg0: i32, %arg1: i32, %arg2: memref<204800xi32, #tpu.memory_space<hbm>>, %arg3: memref<960000x8xf32, #tpu.memory_space<hbm>>, %arg4: memref<204800x8xf32, #tpu.memory_space<hbm>>, %arg5: memref<6400xi32, #tpu.memory_space<vmem>>, %arg6: memref<50x128xi32, #tpu.memory_space<vmem>>, %arg7: memref<6400x8xf32, #tpu.memory_space<vmem>>, %arg8: memref<!tpu.dma_semaphore, #tpu.memory_space<semaphore_mem>>, %arg9: memref<!tpu.dma_semaphore, #tpu.memory_space<semaphore_mem>>) attributes {dimension_semantics = [#tpu.dimension_semantics<core_parallel>, #tpu.dimension_semantics<subcore_parallel>], iteration_bounds = array<i64: 2, 16>, scalar_prefetch = 0 : i64, scratch_operands = 5 : i64, tpu.core_type = #tpu.core_type<sc_vector_subcore>, window_params = [{transform_indices = #map}, {transform_indices = #map1}, {transform_indices = #map1}]} {
    %mul3A = arith.constant 2 : i32
    %mul3A_0 = arith.muli %arg1, %mul3A : i32
    %add3A = arith.addi %mul3A_0, %arg0 : i32
    %mul3A_1 = arith.constant 6400 : i32
    %mul3A_2 = arith.muli %add3A, %mul3A_1 : i32
    "tpu.region"() ({
      %run_scoped3A = tpu.sem_alloc : memref<!tpu.dma_semaphore, #tpu.memory_space<semaphore_mem>>
      %dma_start3A = tpu.memref_slice %arg2[%mul3A_2] : memref<204800xi32, #tpu.memory_space<hbm>> -> memref<6400xi32, #tpu.memory_space<hbm>>
      %dma_start3A_69 = tpu.memref_slice %arg2[%mul3A_2] : memref<204800xi32, #tpu.memory_space<hbm>> -> memref<6400xi32, #tpu.memory_space<hbm>>
      tpu.enqueue_dma source(%dma_start3A_69 : memref<6400xi32, #tpu.memory_space<hbm>>) target(%arg5 : memref<6400xi32, #tpu.memory_space<vmem>>) target_semaphore(%run_scoped3A : memref<!tpu.dma_semaphore, #tpu.memory_space<semaphore_mem>>)
      %dma_wait3A = tpu.memref_slice %arg2[%mul3A_2] : memref<204800xi32, #tpu.memory_space<hbm>> -> memref<6400xi32, #tpu.memory_space<hbm>>
      %dma_wait3A_70 = tpu.memref_slice %arg2[%mul3A_2] : memref<204800xi32, #tpu.memory_space<hbm>> -> memref<6400xi32, #tpu.memory_space<hbm>>
      tpu.wait_dma2 semaphore(%run_scoped3A : memref<!tpu.dma_semaphore, #tpu.memory_space<semaphore_mem>>) src(%dma_wait3A_70 : memref<6400xi32, #tpu.memory_space<hbm>>) dst(%arg5 : memref<6400xi32, #tpu.memory_space<vmem>>)
      tpu.yield
    }) : () -> ()
    %iota3A = tpu.iota {dimensions = array<i32: 0>} : vector<16xi32>
    %jit3A = arith.constant 8 : i32
    %eq3A = arith.constant 0 : i32
    %eq3A_3 = arith.cmpi eq, %jit3A, %eq3A : i32
    %jit3A_4 = arith.constant 1 : i32
    %select_n3A = arith.select %eq3A_3, %jit3A_4, %jit3A : i32
    %rem3A = vector.broadcast %select_n3A : i32 to vector<16xi32>
    %rem3A_5 = arith.remsi %iota3A, %rem3A : vector<16xi32>
    %ne3A = arith.constant 0 : i32
    %ne3A_6 = vector.broadcast %ne3A : i32 to vector<16xi32>
    %ne3A_7 = arith.cmpi ne, %rem3A_5, %ne3A_6 : vector<16xi32>
    %lt3A = arith.constant 0 : i32
    %lt3A_8 = vector.broadcast %lt3A : i32 to vector<16xi32>
    %lt3A_9 = arith.cmpi slt, %rem3A_5, %lt3A_8 : vector<16xi32>
    %lt3A_10 = arith.constant 0 : i32
    %lt3A_11 = arith.cmpi slt, %select_n3A, %lt3A_10 : i32
    %ne3A_12 = vector.broadcast %lt3A_11 : i1 to vector<16xi1>
    %ne3A_13 = vector.broadcast %ne3A_12 : vector<16xi1> to vector<16xi1>
    %ne3A_14 = arith.xori %lt3A_9, %ne3A_13 : vector<16xi1>
    %and3A = arith.andi %ne3A_14, %ne3A_7 : vector<16xi1>
    %add3A_15 = vector.broadcast %select_n3A : i32 to vector<16xi32>
    %add3A_16 = arith.addi %rem3A_5, %add3A_15 : vector<16xi32>
    %select_n3A_17 = arith.select %and3A, %add3A_16, %rem3A_5 : vector<16xi1>, vector<16xi32>
    %mul3A_18 = arith.constant 16 : i32
    %mul3A_19 = vector.broadcast %mul3A_18 : i32 to vector<16xi32>
    %mul3A_20 = arith.muli %mul3A_19, %select_n3A_17 : vector<16xi32>
    %jit3A_21 = arith.constant 8 : i32
    %div3A = vector.broadcast %jit3A_21 : i32 to vector<16xi32>
    %div3A_22 = arith.divsi %iota3A, %div3A : vector<16xi32>
    %sign3A = arith.constant 0 : i32
    %sign3A_23 = vector.broadcast %sign3A : i32 to vector<16xi32>
    %sign3A_24 = arith.cmpi sgt, %iota3A, %sign3A_23 : vector<16xi32>
    %sign3A_25 = arith.extui %sign3A_24 : vector<16xi1> to vector<16xi32>
    %sign3A_26 = arith.constant 0 : i32
    %sign3A_27 = vector.broadcast %sign3A_26 : i32 to vector<16xi32>
    %sign3A_28 = arith.cmpi slt, %iota3A, %sign3A_27 : vector<16xi32>
    %sign3A_29 = arith.extui %sign3A_28 : vector<16xi1> to vector<16xi32>
    %sign3A_30 = arith.subi %sign3A_25, %sign3A_29 : vector<16xi32>
    %sign3A_31 = arith.constant 0 : i32
    %sign3A_32 = arith.cmpi sgt, %jit3A_21, %sign3A_31 : i32
    %sign3A_33 = arith.extui %sign3A_32 : i1 to i32
    %sign3A_34 = arith.constant 0 : i32
    %sign3A_35 = arith.cmpi slt, %jit3A_21, %sign3A_34 : i32
    %sign3A_36 = arith.extui %sign3A_35 : i1 to i32
    %sign3A_37 = arith.subi %sign3A_33, %sign3A_36 : i32
    %ne3A_38 = vector.broadcast %sign3A_37 : i32 to vector<16xi32>
    %ne3A_39 = arith.cmpi ne, %sign3A_30, %ne3A_38 : vector<16xi32>
    %rem3A_40 = vector.broadcast %jit3A_21 : i32 to vector<16xi32>
    %rem3A_41 = arith.remsi %iota3A, %rem3A_40 : vector<16xi32>
    %ne3A_42 = arith.constant 0 : i32
    %ne3A_43 = vector.broadcast %ne3A_42 : i32 to vector<16xi32>
    %ne3A_44 = arith.cmpi ne, %rem3A_41, %ne3A_43 : vector<16xi32>
    %and3A_45 = arith.andi %ne3A_39, %ne3A_44 : vector<16xi1>
    %sub3A = arith.constant 1 : i32
    %sub3A_46 = vector.broadcast %sub3A : i32 to vector<16xi32>
    %sub3A_47 = arith.subi %div3A_22, %sub3A_46 : vector<16xi32>
    %select_n3A_48 = arith.select %and3A_45, %sub3A_47, %div3A_22 : vector<16xi1>, vector<16xi32>
    %add3A_49 = arith.addi %mul3A_20, %select_n3A_48 : vector<16xi32>
    %scan3A = arith.constant 0 : i32
    %scan3A_50 = arith.constant 400 : i32
    %scan3A_51 = arith.addi %scan3A, %scan3A_50 : i32
    %scan3A_52 = arith.constant 1 : i32
    scf.for %scan3A_69 = %scan3A to %scan3A_51 step %scan3A_52  : i32 {
      %mul3A_70 = arith.constant 1 : i32
      %mul3A_71 = arith.muli %scan3A_69, %mul3A_70 : i32
      %add3A_72 = arith.constant 0 : i32
      %add3A_73 = arith.addi %add3A_72, %mul3A_71 : i32
      %mul3A_74 = arith.constant 16 : i32
      %mul3A_75 = arith.muli %add3A_73, %mul3A_74 : i32
      %get3A = arith.index_cast %mul3A_75 : i32 to index
      %get3A_76 = tpu.vector_load %arg5[%get3A] {strides = array<i32>} : memref<6400xi32, #tpu.memory_space<vmem>>, vector<16xi32>,
      %jit3A_77 = arith.constant 8 : i32
      %div3A_78 = arith.divsi %add3A_73, %jit3A_77 : i32
      %sign3A_79 = arith.constant 0 : i32
      %sign3A_80 = arith.cmpi sgt, %add3A_73, %sign3A_79 : i32
      %sign3A_81 = arith.extui %sign3A_80 : i1 to i32
      %sign3A_82 = arith.constant 0 : i32
      %sign3A_83 = arith.cmpi slt, %add3A_73, %sign3A_82 : i32
      %sign3A_84 = arith.extui %sign3A_83 : i1 to i32
      %sign3A_85 = arith.subi %sign3A_81, %sign3A_84 : i32
      %sign3A_86 = arith.constant 0 : i32
      %sign3A_87 = arith.cmpi sgt, %jit3A_77, %sign3A_86 : i32
      %sign3A_88 = arith.extui %sign3A_87 : i1 to i32
      %sign3A_89 = arith.constant 0 : i32
      %sign3A_90 = arith.cmpi slt, %jit3A_77, %sign3A_89 : i32
      %sign3A_91 = arith.extui %sign3A_90 : i1 to i32
      %sign3A_92 = arith.subi %sign3A_88, %sign3A_91 : i32
      %ne3A_93 = arith.cmpi ne, %sign3A_85, %sign3A_92 : i32
      %rem3A_94 = arith.remsi %add3A_73, %jit3A_77 : i32
      %ne3A_95 = arith.constant 0 : i32
      %ne3A_96 = arith.cmpi ne, %rem3A_94, %ne3A_95 : i32
      %and3A_97 = arith.andi %ne3A_93, %ne3A_96 : i1
      %sub3A_98 = arith.constant 1 : i32
      %sub3A_99 = arith.subi %div3A_78, %sub3A_98 : i32
      %select_n3A_100 = arith.select %and3A_97, %sub3A_99, %div3A_78 : i32
      %broadcast_in_dim3A = vector.broadcast %select_n3A_100 : i32 to vector<16xi32>
      %jit3A_101 = arith.constant 8 : i32
      %eq3A_102 = arith.constant 0 : i32
      %eq3A_103 = arith.cmpi eq, %jit3A_101, %eq3A_102 : i32
      %jit3A_104 = arith.constant 1 : i32
      %select_n3A_105 = arith.select %eq3A_103, %jit3A_104, %jit3A_101 : i32
      %rem3A_106 = arith.remsi %add3A_73, %select_n3A_105 : i32
      %ne3A_107 = arith.constant 0 : i32
      %ne3A_108 = arith.cmpi ne, %rem3A_106, %ne3A_107 : i32
      %lt3A_109 = arith.constant 0 : i32
      %lt3A_110 = arith.cmpi slt, %rem3A_106, %lt3A_109 : i32
      %lt3A_111 = arith.constant 0 : i32
      %lt3A_112 = arith.cmpi slt, %select_n3A_105, %lt3A_111 : i32
      %ne3A_113 = arith.xori %lt3A_110, %lt3A_112 : i1
      %and3A_114 = arith.andi %ne3A_113, %ne3A_108 : i1
      %add3A_115 = arith.addi %rem3A_106, %select_n3A_105 : i32
      %select_n3A_116 = arith.select %and3A_114, %add3A_115, %rem3A_106 : i32
      %mul3A_117 = arith.constant 2 : i32
      %mul3A_118 = arith.muli %mul3A_117, %select_n3A_116 : i32
      %add3A_119 = vector.broadcast %mul3A_118 : i32 to vector<16xi32>
      %add3A_120 = arith.addi %add3A_49, %add3A_119 : vector<16xi32>
      %sub3A_121 = arith.constant 40000 : i32
      %sub3A_122 = vector.broadcast %sub3A_121 : i32 to vector<16xi32>
      %sub3A_123 = arith.subi %get3A_76, %sub3A_122 : vector<16xi32>
      %jit3A_124 = arith.constant 0 : i32
      %jit3A_125 = arith.constant 959999 : i32
      %max3A = vector.broadcast %jit3A_124 : i32 to vector<16xi32>
      %max3A_126 = arith.maxsi %max3A, %sub3A_123 : vector<16xi32>
      %min3A = vector.broadcast %jit3A_125 : i32 to vector<16xi32>
      %min3A_127 = arith.minsi %min3A, %max3A_126 : vector<16xi32>
      tpu.vector_store_idx %arg6[%broadcast_in_dim3A, %add3A_120], %min3A_127 : memref<50x128xi32, #tpu.memory_space<vmem>>[vector<16xi32>, vector<16xi32>], vector<16xi32>,
    }
    %scan3A_53 = arith.constant 400 : i32
    %scan3A_54 = arith.constant 0 : i32
    %scan3A_55 = arith.constant 50 : i32
    %scan3A_56 = arith.addi %scan3A_54, %scan3A_55 : i32
    %scan3A_57 = arith.constant 1 : i32
    scf.for %scan3A_69 = %scan3A_54 to %scan3A_56 step %scan3A_57  : i32 {
      %mul3A_70 = arith.constant 1 : i32
      %mul3A_71 = arith.muli %scan3A_69, %mul3A_70 : i32
      %add3A_72 = arith.constant 0 : i32
      %add3A_73 = arith.addi %add3A_72, %mul3A_71 : i32
      %mul3A_74 = arith.constant 128 : i32
      %mul3A_75 = arith.muli %add3A_73, %mul3A_74 : i32
      %dma_start3A = arith.constant 0 : i32
      %dma_start3A_76 = tpu.memref_slice %arg7[%mul3A_75, %dma_start3A] : memref<6400x8xf32, #tpu.memory_space<vmem>> -> memref<128x8xf32, #tpu.memory_space<vmem>>
      %dma_start3A_77 = arith.constant 0 : i32
      %dma_start3A_78 = tpu.memref_slice %arg6[%add3A_73, %dma_start3A_77] : memref<50x128xi32, #tpu.memory_space<vmem>> -> memref<1x128xi32, #tpu.memory_space<vmem>>
      %dma_start3A_79 = tpu.memref_squeeze %dma_start3A_78 : memref<1x128xi32, #tpu.memory_space<vmem>> -> memref<128xi32, #tpu.memory_space<vmem>>
      %dma_start3A_80 = arith.constant 0 : i32
      %dma_start3A_81 = arith.constant 0 : i32
      %dma_start3A_82 = tpu.memref_slice %arg3[%dma_start3A_80, %dma_start3A_81] : memref<960000x8xf32, #tpu.memory_space<hbm>> -> memref<960000x8xf32, #tpu.memory_space<hbm>>
      tpu.enqueue_indirect_dma source(%dma_start3A_82 : memref<960000x8xf32, #tpu.memory_space<hbm>>) target(%dma_start3A_76 : memref<128x8xf32, #tpu.memory_space<vmem>>) offsets(%dma_start3A_79 : memref<128xi32, #tpu.memory_space<vmem>>) semaphore(%arg8 : memref<!tpu.dma_semaphore, #tpu.memory_space<semaphore_mem>>)
    }
    %scan3A_58 = arith.constant 50 : i32
    %scan3A_59 = arith.constant 0 : i32
    %scan3A_60 = arith.constant 50 : i32
    %scan3A_61 = arith.addi %scan3A_59, %scan3A_60 : i32
    %scan3A_62 = arith.constant 1 : i32
    scf.for %scan3A_69 = %scan3A_59 to %scan3A_61 step %scan3A_62  : i32 {
      %mul3A_70 = arith.constant 1 : i32
      %mul3A_71 = arith.muli %scan3A_69, %mul3A_70 : i32
      %add3A_72 = arith.constant 0 : i32
      %add3A_73 = arith.addi %add3A_72, %mul3A_71 : i32
      %mul3A_74 = arith.constant 128 : i32
      %mul3A_75 = arith.muli %add3A_73, %mul3A_74 : i32
      %dma_wait3A = arith.constant 0 : i32
      %dma_wait3A_76 = tpu.memref_slice %arg7[%mul3A_75, %dma_wait3A] : memref<6400x8xf32, #tpu.memory_space<vmem>> -> memref<128x8xf32, #tpu.memory_space<vmem>>
      %dma_wait3A_77 = arith.constant 0 : i32
      %dma_wait3A_78 = tpu.memref_slice %arg6[%add3A_73, %dma_wait3A_77] : memref<50x128xi32, #tpu.memory_space<vmem>> -> memref<1x128xi32, #tpu.memory_space<vmem>>
      %dma_wait3A_79 = tpu.memref_squeeze %dma_wait3A_78 : memref<1x128xi32, #tpu.memory_space<vmem>> -> memref<128xi32, #tpu.memory_space<vmem>>
      %dma_wait3A_80 = arith.constant 0 : i32
      %dma_wait3A_81 = arith.constant 0 : i32
      %dma_wait3A_82 = tpu.memref_slice %arg3[%dma_wait3A_80, %dma_wait3A_81] : memref<960000x8xf32, #tpu.memory_space<hbm>> -> memref<960000x8xf32, #tpu.memory_space<hbm>>
      tpu.wait_indirect_dma semaphore(%arg8 : memref<!tpu.dma_semaphore, #tpu.memory_space<semaphore_mem>>) src(%dma_wait3A_82 : memref<960000x8xf32, #tpu.memory_space<hbm>>) dst(%dma_wait3A_76 : memref<128x8xf32, #tpu.memory_space<vmem>>)
      %mul3A_83 = arith.constant 128 : i32
      %mul3A_84 = arith.muli %add3A_73, %mul3A_83 : i32
      %mul3A_85 = arith.constant 128 : i32
      %mul3A_86 = arith.muli %add3A_73, %mul3A_85 : i32
      %add3A_87 = arith.addi %mul3A_2, %mul3A_86 : i32
      %dma_start3A = arith.constant 0 : i32
      %dma_start3A_88 = tpu.memref_slice %arg7[%mul3A_84, %dma_start3A] : memref<6400x8xf32, #tpu.memory_space<vmem>> -> memref<128x8xf32, #tpu.memory_space<vmem>>
      %dma_start3A_89 = arith.constant 0 : i32
      %dma_start3A_90 = tpu.memref_slice %arg4[%add3A_87, %dma_start3A_89] : memref<204800x8xf32, #tpu.memory_space<hbm>> -> memref<128x8xf32, #tpu.memory_space<hbm>>
      %dma_start3A_91 = arith.constant 0 : i32
      %dma_start3A_92 = tpu.memref_slice %arg4[%add3A_87, %dma_start3A_91] : memref<204800x8xf32, #tpu.memory_space<hbm>> -> memref<128x8xf32, #tpu.memory_space<hbm>>
      %dma_start3A_93 = arith.constant 0 : i32
      %dma_start3A_94 = tpu.memref_slice %arg7[%mul3A_84, %dma_start3A_93] : memref<6400x8xf32, #tpu.memory_space<vmem>> -> memref<128x8xf32, #tpu.memory_space<vmem>>
      tpu.enqueue_dma source(%dma_start3A_94 : memref<128x8xf32, #tpu.memory_space<vmem>>) target(%dma_start3A_92 : memref<128x8xf32, #tpu.memory_space<hbm>>) target_semaphore(%arg9 : memref<!tpu.dma_semaphore, #tpu.memory_space<semaphore_mem>>)
    }
    %scan3A_63 = arith.constant 50 : i32
    %scan3A_64 = arith.constant 0 : i32
    %scan3A_65 = arith.constant 50 : i32
    %scan3A_66 = arith.addi %scan3A_64, %scan3A_65 : i32
    %scan3A_67 = arith.constant 1 : i32
    scf.for %scan3A_69 = %scan3A_64 to %scan3A_66 step %scan3A_67  : i32 {
      %mul3A_70 = arith.constant 1 : i32
      %mul3A_71 = arith.muli %scan3A_69, %mul3A_70 : i32
      %add3A_72 = arith.constant 0 : i32
      %add3A_73 = arith.addi %add3A_72, %mul3A_71 : i32
      %mul3A_74 = arith.constant 128 : i32
      %mul3A_75 = arith.muli %add3A_73, %mul3A_74 : i32
      %mul3A_76 = arith.constant 128 : i32
      %mul3A_77 = arith.muli %add3A_73, %mul3A_76 : i32
      %add3A_78 = arith.addi %mul3A_2, %mul3A_77 : i32
      %dma_wait3A = arith.constant 0 : i32
      %dma_wait3A_79 = tpu.memref_slice %arg7[%mul3A_75, %dma_wait3A] : memref<6400x8xf32, #tpu.memory_space<vmem>> -> memref<128x8xf32, #tpu.memory_space<vmem>>
      %dma_wait3A_80 = arith.constant 0 : i32
      %dma_wait3A_81 = tpu.memref_slice %arg4[%add3A_78, %dma_wait3A_80] : memref<204800x8xf32, #tpu.memory_space<hbm>> -> memref<128x8xf32, #tpu.memory_space<hbm>>
      %dma_wait3A_82 = arith.constant 0 : i32
      %dma_wait3A_83 = tpu.memref_slice %arg4[%add3A_78, %dma_wait3A_82] : memref<204800x8xf32, #tpu.memory_space<hbm>> -> memref<128x8xf32, #tpu.memory_space<hbm>>
      %dma_wait3A_84 = arith.constant 0 : i32
      %dma_wait3A_85 = tpu.memref_slice %arg7[%mul3A_75, %dma_wait3A_84] : memref<6400x8xf32, #tpu.memory_space<vmem>> -> memref<128x8xf32, #tpu.memory_space<vmem>>
      tpu.wait_dma2 semaphore(%arg9 : memref<!tpu.dma_semaphore, #tpu.memory_space<semaphore_mem>>) src(%dma_wait3A_85 : memref<128x8xf32, #tpu.memory_space<vmem>>) dst(%dma_wait3A_83 : memref<128x8xf32, #tpu.memory_space<hbm>>)
    }
    %scan3A_68 = arith.constant 50 : i32
    return
  }
}

module attributes {stable_mosaic.version = 14 : i64} {
  func.func @_build_t_body(%arg0: i32, %arg1: memref<400x128xf32, #tpu.memory_space<vmem>>, %arg2: memref<400x32xf32, #tpu.memory_space<vmem>>, %arg3: memref<32x128xf32, #tpu.memory_space<vmem>>, %arg4: memref<400x128xf32, #tpu.memory_space<vmem>>) attributes {dimension_semantics = [#tpu.dimension_semantics<arbitrary>], iteration_bounds = array<i64: 100>, scalar_prefetch = 0 : i64, scratch_operands = 0 : i64, tpu.core_type = #tpu.core_type<tc>, window_params = [{transform_indices = @transform_0, window_bounds = array<i64: 400, 128>}, {transform_indices = @transform_1, window_bounds = array<i64: 400, 32>}, {pipeline_mode = #tpu.pipeline_mode<synchronous>, transform_indices = @transform_2, window_bounds = array<i64: 32, 128>}, {transform_indices = @transform_3, window_bounds = array<i64: 400, 128>}]} {
    %lt3A = arith.constant 50 : i32
    %lt3A_0 = arith.cmpi slt, %arg0, %lt3A : i32
    %convert_element_type3A = arith.extui %lt3A_0 : i1 to i32
    %cond3A = arith.constant 0 : i32
    %cond3A_1 = arith.cmpi ne, %convert_element_type3A, %cond3A : i32
    scf.if %cond3A_1 {
      %get3A = arith.constant 0 : index
      %get3A_6 = arith.constant 0 : index
      %get3A_7 = vector.load %arg1[%get3A, %get3A_6] : memref<400x128xf32, #tpu.memory_space<vmem>>, vector<400x128xf32>
      %swap3A = arith.constant 0 : index
      %swap3A_8 = arith.constant 0 : index
      %swap3A_9 = vector.load %arg4[%swap3A, %swap3A_8] : memref<400x128xf32, #tpu.memory_space<vmem>>, vector<400x128xf32>
      tpu.vector_store %arg4[%swap3A, %swap3A_8], %get3A_7 {strides = array<i32>} : memref<400x128xf32, #tpu.memory_space<vmem>>, vector<400x128xf32>,
    } else {
    }
    %ge3A = arith.constant 50 : i32
    %ge3A_2 = arith.cmpi sge, %arg0, %ge3A : i32
    %convert_element_type3A_3 = arith.extui %ge3A_2 : i1 to i32
    %cond3A_4 = arith.constant 0 : i32
    %cond3A_5 = arith.cmpi ne, %convert_element_type3A_3, %cond3A_4 : i32
    scf.if %cond3A_5 {
      %get3A = arith.constant 0 : index
      %get3A_6 = arith.constant 0 : index
      %get3A_7 = vector.load %arg2[%get3A, %get3A_6] : memref<400x32xf32, #tpu.memory_space<vmem>>, vector<400x32xf32>
      %get3A_8 = arith.constant 0 : index
      %get3A_9 = arith.constant 0 : index
      %get3A_10 = vector.load %arg3[%get3A_8, %get3A_9] : memref<32x128xf32, #tpu.memory_space<vmem>>, vector<32x128xf32>
      %dot_general3A = arith.constant dense<0.000000e+00> : vector<400x128xf32>
      %dot_general3A_11 = tpu.matmul %get3A_7, %get3A_10, %dot_general3A {dimension_numbers = #tpu.dot_dimension_numbers<[1], [0], [0], [1], [0, 0, 1, 1], [], []>, precision = #tpu.contract_precision<fp32>, transpose_lhs_hint = false} : vector<400x32xf32>, vector<32x128xf32>, vector<400x128xf32> -> vector<400x128xf32>
      %swap3A = arith.constant 0 : index
      %swap3A_12 = arith.constant 0 : index
      %swap3A_13 = vector.load %arg4[%swap3A, %swap3A_12] : memref<400x128xf32, #tpu.memory_space<vmem>>, vector<400x128xf32>
      tpu.vector_store %arg4[%swap3A, %swap3A_12], %dot_general3A_11 {strides = array<i32>} : memref<400x128xf32, #tpu.memory_space<vmem>>, vector<400x128xf32>,
    } else {
    }
    return
  }
  func.func @transform_0(%arg0: i32) -> (i32, i32) {
    %min3A = arith.constant 49 : i32
    %min3A_0 = arith.minsi %arg0, %min3A : i32
    %c0_i32 = arith.constant 0 : i32
    %c0_i32_1 = arith.constant 0 : i32
    return %min3A_0, %c0_i32 : i32, i32
  }
  func.func @transform_1(%arg0: i32) -> (i32, i32) {
    %sub3A = arith.constant 50 : i32
    %sub3A_0 = arith.subi %arg0, %sub3A : i32
    %max3A = arith.constant 0 : i32
    %max3A_1 = arith.maxsi %sub3A_0, %max3A : i32
    %c0_i32 = arith.constant 0 : i32
    %c0_i32_2 = arith.constant 0 : i32
    return %max3A_1, %c0_i32 : i32, i32
  }
  func.func @transform_2(%arg0: i32) -> (i32, i32) {
    %c0_i32 = arith.constant 0 : i32
    %c0_i32_0 = arith.constant 0 : i32
    %c0_i32_1 = arith.constant 0 : i32
    return %c0_i32, %c0_i32_0 : i32, i32
  }
  func.func @transform_3(%arg0: i32) -> (i32, i32) {
    %c0_i32 = arith.constant 0 : i32
    %c0_i32_0 = arith.constant 0 : i32
    return %arg0, %c0_i32 : i32, i32
  }
}

module attributes {stable_mosaic.version = 14 : i64} {
  func.func @_mm_body(%arg0: i32, %arg1: memref<512x128xf32, #tpu.memory_space<vmem>>, %arg2: memref<128x2048xf32, #tpu.memory_space<vmem>>, %arg3: memref<512x2048xf32, #tpu.memory_space<vmem>>) attributes {dimension_semantics = [#tpu.dimension_semantics<arbitrary>], iteration_bounds = array<i64: 25>, scalar_prefetch = 0 : i64, scratch_operands = 0 : i64, tpu.core_type = #tpu.core_type<tc>, window_params = [{transform_indices = @transform_0, window_bounds = array<i64: 512, 128>}, {pipeline_mode = #tpu.pipeline_mode<synchronous>, transform_indices = @transform_1, window_bounds = array<i64: 128, 2048>}, {transform_indices = @transform_2, window_bounds = array<i64: 512, 2048>}]} {
    %get3A = arith.constant 0 : index
    %get3A_0 = arith.constant 0 : index
    %get3A_1 = vector.load %arg1[%get3A, %get3A_0] : memref<512x128xf32, #tpu.memory_space<vmem>>, vector<512x128xf32>
    %get3A_2 = arith.constant 0 : index
    %get3A_3 = arith.constant 0 : index
    %get3A_4 = vector.load %arg2[%get3A_2, %get3A_3] : memref<128x2048xf32, #tpu.memory_space<vmem>>, vector<128x2048xf32>
    %dot_general3A = arith.constant dense<0.000000e+00> : vector<512x2048xf32>
    %dot_general3A_5 = tpu.matmul %get3A_1, %get3A_4, %dot_general3A {dimension_numbers = #tpu.dot_dimension_numbers<[1], [0], [0], [1], [0, 0, 1, 1], [], []>, precision = #tpu.contract_precision<fp32>, transpose_lhs_hint = false} : vector<512x128xf32>, vector<128x2048xf32>, vector<512x2048xf32> -> vector<512x2048xf32>
    %swap3A = arith.constant 0 : index
    %swap3A_6 = arith.constant 0 : index
    %swap3A_7 = vector.load %arg3[%swap3A, %swap3A_6] : memref<512x2048xf32, #tpu.memory_space<vmem>>, vector<512x2048xf32>
    tpu.vector_store %arg3[%swap3A, %swap3A_6], %dot_general3A_5 {strides = array<i32>} : memref<512x2048xf32, #tpu.memory_space<vmem>>, vector<512x2048xf32>,
    return
  }
  func.func @transform_0(%arg0: i32) -> (i32, i32) {
    %c0_i32 = arith.constant 0 : i32
    %c0_i32_0 = arith.constant 0 : i32
    return %arg0, %c0_i32 : i32, i32
  }
  func.func @transform_1(%arg0: i32) -> (i32, i32) {
    %c0_i32 = arith.constant 0 : i32
    %c0_i32_0 = arith.constant 0 : i32
    %c0_i32_1 = arith.constant 0 : i32
    return %c0_i32, %c0_i32_0 : i32, i32
  }
  func.func @transform_2(%arg0: i32) -> (i32, i32) {
    %c0_i32 = arith.constant 0 : i32
    %c0_i32_0 = arith.constant 0 : i32
    return %arg0, %c0_i32 : i32, i32
  }
}

</mosaic_0001>

<sc_bundles>
// kernel: kernel.10.cloned.1.call-start
scs
__scs_entry_jumppad:
0x0: {  	(pc) =	sbr.rel $0x88, $3  }
0x1: {  	(tag) =	ssettag $0x0;
	lr =	simm.s32 $0x1  }
0x2: {  	[smem:$0x3F9B] =	sst lr;
	_ =	strace $0xD0000000  }
0x3: {  	_ = 	snop  }
0x4: {  	_ = 	snop  }
0x5: {  	_ = 	snop  }
0x6: {  	_ = 	snop  }
0x7: {  	_ = 	snop  }
__scs_overlays_trampoline_lowered:
0x8: {  	[smem:$0x3FAA] =	sst s0  }
0x9: {  	[smem:$0x3FAB] =	sst s1  }
0xa: {  	[smem:$0x3FAC] =	sst s2  }
0xb: {  	[smem:$0x3FAD] =	sst s3  }
0xc: {  	[smem:$0x3FAE] =	sst s4  }
0xd: {  	[smem:$0x3FAF] =	sst s5  }
0xe: {  	[smem:$0x3FB0] =	sst s6  }
0xf: {  	[smem:$0x3FB1] =	sst s7  }
0x10: {  	[smem:$0x3FB2] =	sst s8  }
0x11: {  	[smem:$0x3FB3] =	sst s9;
	s0 =	simm.s32 @!p0 $0x0  }
0x12: {  	s1 =	sld [smem:$0x3F99];
	s0 =	simm.s32 @p0 $0x1  }
0x13: {  	[smem:$0x3FB4] =	sst s0;
	s0 =	simm.s32 @!p1 $0x0  }
0x14: {  	s2 =	sld [smem:$0x3F98];
	s0 =	simm.s32 @p1 $0x1  }
0x15: {  	[smem:$0x3FB5] =	sst s0;
	s0 =	simm.s32 @!p2 $0x0  }
0x16: {  	s3 =	sld [smem:$0x3FDB];
	s0 =	simm.s32 @p2 $0x1  }
0x17: {  	s4 =	simm.s32 $0x1BF5;
	[smem:$0x3FB7] =	sst s0  }
0x18: {  	s0 =	sld [smem:$0x3F9A];
	_ =	swait.ge [sflag:s4], $0x0  }
0x19: {  	s7 =	sld [smem:$0x3F9B]  }
0x1a: {  	s8 =	sadd.s32 $0xFFFFE003, lr  }
0x1b: {  	s9 =	sadd.s32 $0xFFFFFEF7, lr;
	s5 =	simm.s32 $0xFFFFFFFF;
	p2 =	slt.u32 s8, $0xFFFFF086  }
0x1c: {  	p1 =	slt.u32 s9, $0xF7A;
	s5 =	simm.s32 @!p2 $0x0  }
0x1d: {  	s5 =	simm.s32 @p1 $0x1;
	p0 =	seq.s32 s7, s2  }
0x1e: {  	s7 =	smul.u32 @!p0 $0xF7A, s2;
	p2 =	seq.s32 @!p0 s5, $0x0  }
0x1f: {  	s9 =	smul.u32 $0xF7A, s1;
	s8 =	simm.s32 @!p0 $0x1BF5;
	p2 =	por !p2, p0  }
0x20: {  	[sflag:s8] =	ssyncset.s32 @!p0 $0xFFFFF086;
	s6 =	sadd.s32 @!p0 s3, s7;
	s7 =	simm.s32 @!p0 $0x108  }
0x21: {  	s3 =	sadd.s32 s3, s9;
	s6 =	sadd.s32 @!p0 $0x88, s6;
	s7 =	simm.s32 @p2 $0x1082  }
0x22: {  	[simem:s7], [sflag:s8] =	dma.local @!p0 [hbm:s6], $0xF7A  }
0x23: {  	s9 =	sor.u32 $0xD0000000, s2;
	s6 =	simm.s32 $0x108;
	_ =	swait.ge @!p0 [sflag:s8], $0x0  }
0x24: {  	s3 =	sadd.s32 $0x88, s3;
	s6 =	simm.s32 @!p1 $0x1082;
	[sflag:s4] =	ssyncset.s32 $0xFFFFF086  }
0x25: {  	[simem:s6], [sflag:s4] =	dma.local [hbm:s3], $0xF7A  }
0x26: {  	[smem:$0x3F9B] =	sst s1;
	(tag) =	ssettag s2;
	_ =	strace s9  }
0x27: {  	s1 =	sld [smem:$0x3FAB]  }
0x28: {  	s2 =	sld [smem:$0x3FAC]  }
0x29: {  	s4 =	sld [smem:$0x3FAE]  }
0x2a: {  	p0 =	seq.s32 s5, $0x0;
	s5 =	sld [smem:$0x3FAF]  }
0x2b: {  	s6 =	sld [smem:$0x3FB0]  }
0x2c: {  	s7 =	sld [smem:$0x3FB1]  }
0x2d: {  	s3 =	simm.s32 $0x108;
	s8 =	sld [smem:$0x3FB2]  }
0x2e: {  	s3 =	simm.s32 @!p0 $0x1082;
	s9 =	sld [smem:$0x3FB3]  }
0x2f: {  	lr =	sadd.s32 s0, s3;
	s0 =	sld [smem:$0x3FAA]  }
0x30: {  	s3 =	sld [smem:$0x3FAD]  }
0x31: {  	[smem:$0x3FB6] =	sst s10  }
0x32: {  	s10 =	sld [smem:$0x3FB4];
	_ =	sdelay $0x3  }
0x33: {  	p0 =	seq.s32 s10, $0x1;
	s10 =	sld [smem:$0x3FB6];
	_ =	sdelay $0x3  }
0x34: {  	[smem:$0x3FB6] =	sst s10  }
0x35: {  	s10 =	sld [smem:$0x3FB5];
	_ =	sdelay $0x3  }
0x36: {  	p1 =	seq.s32 s10, $0x1;
	s10 =	sld [smem:$0x3FB6];
	_ =	sdelay $0x3  }
0x37: {  	[smem:$0x3FB6] =	sst s10  }
0x38: {  	s10 =	sld [smem:$0x3FB7]  }
0x39: {  	_ = 	snop;
	(pc) =	sbr.ind lr, $3  }
0x3a: {  	_ = 	snop  }
0x3b: {  	_ = 	snop  }
0x3c: {  	p2 =	seq.s32 s10, $0x1;
	s10 =	sld [smem:$0x3FB6]  }
0x3d: {  	_ =	shalt  }
0x3e: {  	_ =	shalt  }
0x3f: {  	_ =	shalt  }
0x40: {  	_ =	shalt  }
0x41: {  	_ =	shalt  }
0x42: {  	_ =	shalt  }
0x43: {  	_ =	shalt  }
0x44: {  	_ =	shalt  }
0x45: {  	_ =	shalt  }
0x46: {  	_ =	shalt  }
0x47: {  	_ =	shalt  }
0x48: {  	_ =	shalt  }
0x49: {  	_ =	shalt  }
0x4a: {  	_ =	shalt  }
0x4b: {  	_ =	shalt  }
0x4c: {  	_ =	shalt  }
0x4d: {  	_ =	shalt  }
0x4e: {  	_ =	shalt  }
0x4f: {  	_ =	shalt  }
0x50: {  	_ =	shalt  }
0x51: {  	_ =	shalt  }
0x52: {  	_ =	shalt  }
0x53: {  	_ =	shalt  }
0x54: {  	_ =	shalt  }
0x55: {  	_ =	shalt  }
0x56: {  	_ =	shalt  }
0x57: {  	_ =	shalt  }
0x58: {  	_ =	shalt  }
0x59: {  	_ =	shalt  }
0x5a: {  	_ =	shalt  }
0x5b: {  	_ =	shalt  }
0x5c: {  	_ =	shalt  }
0x5d: {  	_ =	shalt  }
0x5e: {  	_ =	shalt  }
0x5f: {  	_ =	shalt  }
0x60: {  	_ =	shalt  }
0x61: {  	_ =	shalt  }
0x62: {  	_ =	shalt  }
0x63: {  	_ =	shalt  }
0x64: {  	_ =	shalt  }
0x65: {  	_ =	shalt  }
0x66: {  	_ =	shalt  }
0x67: {  	_ =	shalt  }
0x68: {  	_ =	shalt  }
0x69: {  	_ =	shalt  }
0x6a: {  	_ =	shalt  }
0x6b: {  	_ =	shalt  }
0x6c: {  	_ =	shalt  }
0x6d: {  	_ =	shalt  }
0x6e: {  	_ =	shalt  }
0x6f: {  	_ =	shalt  }
0x70: {  	_ =	shalt  }
0x71: {  	_ =	shalt  }
0x72: {  	_ =	shalt  }
0x73: {  	_ =	shalt  }
0x74: {  	_ =	shalt  }
0x75: {  	_ =	shalt  }
0x76: {  	_ =	shalt  }
0x77: {  	_ =	shalt  }
0x78: {  	_ =	shalt  }
0x79: {  	_ =	shalt  }
0x7a: {  	_ =	shalt  }
0x7b: {  	_ =	shalt  }
0x7c: {  	_ =	shalt  }
0x7d: {  	_ =	shalt  }
0x7e: {  	_ =	shalt  }
0x7f: {  	_ =	shalt  }
0x80: {  	_ =	shalt  }
0x81: {  	_ =	shalt  }
0x82: {  	_ =	shalt  }
0x83: {  	_ =	shalt  }
0x84: {  	_ =	shalt  }
0x85: {  	_ =	shalt  }
0x86: {  	_ =	shalt  }
0x87: {  	_ =	shalt  }
.Lfunc_end0:
.L_simem_size_0:
called_computation.1_lowered:
.L_overlay_start_0:
0x88: {  	s2 =	sld [smem:$0x3FD9]  }
0x89: {  	s3 =	sld [smem:$0x3FFE];
	_ =	sdelay $0x1  }
0x8a: {  	s1 =	srdreg.scid  }
0x8b: {  	s0 =	sand.u32 $0x1, s1  }
0x8c: {  	s17 =	sshll.u32 s0, $0xA;
	s2 =	sadd.s32 s3, s2  }
0x8d: {  	s2 =	sadd.s32 s2, s17  }
0x8e: {  	[smem:$0x3FC2] =	sst s2  }
0x8f: {  	_ = 	snop  }
0x90: {  	s2 =	sld [smem:$0x3FD0];
	(tm) =	ssettm $0x1  }
0x91: {  	s18 =	sld [smem:$0x3FFB];
	_ =	sdelay $0x3  }
0x92: {  	_ =	strace s18  }
0x93: {  	s3 =	sld [smem:$0x3FFC];
	_ =	sdelay $0x3  }
0x94: {  	_ =	strace s3  }
0x95: {  	s3 =	sld [smem:$0x3FFD];
	_ =	sdelay $0x3  }
0x96: {  	_ =	strace s3  }
0x97: {  	_ =	strace $0x8FFFFFFF  }
0x98: {  	s19 =	sld [smem:$0x3FDB];
	_ =	sdelay $0x1  }
0x99: {  	s4 =	simm.s32 $_scs_section_size  }
0x9a: {  	s5 =	simm.s32 $_size__tile_overlayer_lowered;
	s6 =	simm.s32 $_tile_overlayer_lowered  }
0x9b: {  	s22 =	simm.s32 $0x1BFF;
	s21 =	sshll.u32 s6, $0x1;
	s3 =	sadd.s32 s4, s19  }
0x9c: {  	s7 =	simm.s32 $0x0;
	s20 =	sshll.u32 s5, $0x1;
	s5 =	sadd.s32 s21, s3  }
0x9d: {  	[timem:s7], [sflag:s22] =	dma.local [hbm:s5], s20  }
0x9e: {  	_ =	swait.ge [sflag:s22], s20  }
0x9f: {  	s4 =	ssub.s32 $0x0, s20;
	[sflag:s22] =	ssyncset.done $0x0  }
0xa0: {  	[sflag:s22] =	ssyncadd.s32 s4;
	_ =	sdelay $0x1  }
0xa1: {  	s23 =	simm.s32 $0x1B8B  }
0xa2: {  	_ =	swait.ge [sflag:s23], $0x1  }
0xa3: {  	[sflag:s23] =	ssyncset.done $0x0  }
0xa4: {  	s25 =	simm.s32 $0x1B8E;
	s24 =	sld [smem:$0x3FFE];
	[sflag:s23] =	ssyncadd.s32 $0xFFFFFFFF  }
0xa5: {  	s26 =	simm.s32 $execute0_lowered;
	[smem:$0x3FD2] =	sst s25  }
0xa6: {  	s5 =	sshll.u32 s26, $0x1;
	_ =	strace $0x80000049;
	[dreg:$0x1] =	wrdreg $0xFFFFFFFF  }
0xa7: {  	s28 =	simm.s32 $_size_execute0_lowered;
	s3 =	sadd.s32 s3, s5;
	[dreg:$0x0] =	wrdreg $0x0  }
0xa8: {  	s5 =	sshll.u32 s28, $0x1;
	[dreg:$0x2] =	wrdreg s3  }
0xa9: {  	[dreg:$0x3] =	wrdreg s5  }
0xaa: {  	[dreg:$0x4] =	wrdreg $0xC0  }
0xab: {  	_ =	task [dreg:s7], $0x5FFFF  }
0xac: {  	[dreg:$0x1] =	wrdreg $0xFFFFFFFF  }
0xad: {  	[dreg:$0x0] =	wrdreg $0x60  }
0xae: {  	[dreg:$0x2] =	wrdreg s24  }
0xaf: {  	[dreg:$0x3] =	wrdreg s2  }
0xb0: {  	[dreg:$0x4] =	wrdreg $0x9  }
0xb1: {  	_ =	task.clear_ibuf [dreg:s7], $0x5FFFF;
	_ =	strace $0x90000049  }
0xb2: {  	s29 =	simm.s32 $0x9;
	_ =	strace $0x8000004B  }
0xb3: {  	_ =	swait.ge [sflag:s29], $0x1  }
0xb4: {  	[sflag:s29] =	ssyncadd.s32 $0xFFFFFFFF  }
0xb5: {  	_ =	strace $0x9000004B  }
0xb6: {  	_ =	sfence  }
0xb7: {  	s30 =	sld [smem:$0x0];
	_ =	sdelay $0x2  }
0xb8: {  	s31 =	sshll.u32 s1, $0xD;
	s1 =	sshrl.u32 s1, $0x2  }
0xb9: {  	s3 =	sand.u32 $0x4000, s31;
	s1 =	sadd.s32 s1, s30  }
0xba: {  	s0 =	sor.u32 s3, s0;
	s1 =	sshll.u32 s1, $0x11  }
0xbb: {  	s0 =	sor.u32 s1, s0  }
0xbc: {  	s0 =	sadd.s32 $0x8F2B, s0  }
0xbd: {  	[sflag:s0] =	ssyncadd.remote.s32 $0x1  }
0xbe: {  	_ =	sfence.sel $0xFFFF  }
0xbf: {  	[dreg:$0x0] =	wrdreg $0xFFFFFFFF;
	(pc) =	sbr.abs _section_cstart, $3  }
0xc0: {  	[dreg:$0x1] =	wrdreg $0xFFFFFFFF  }
0xc1: {  	_ =	task.clear_ibuf [dreg:s7], $0x2FFFF;
	_ =	strace $0x9FFFFFFF  }
0xc2: {  	(tm) =	ssettm $0x7FFFFFFF  }
0xc3: {  	_ =	shalt  }
tec
execute0_lowered:
.L_overlay_start_1:
0x0: {  	(tag) =	ssettag $0x1  }
0x1: {  	s1 =	srdreg.scid  }
0x2: {  	s0 =	stileid.u32;
	s4 =	rddreg [dreg:$0x0]  }
0x3: {  	s2 =	rddreg [dreg:$0x1];
	s3 =	simm.s32 $0x0;
	s10 =	simm.s32 $0x1  }
0x4: {  	s11 =	simm.s32 $0x2;
	s12 =	simm.s32 $0x0;
	s5 =	sand.u32 $0x1, s1  }
0x5: {  	s30 =	sshll.u32 s0, $0x1;
	s1 =	rddreg [dreg:$0x2];
	s7 =	smul.u32 $0x3200, s0  }
0x6: {  	v0 =	vimm.s32 $0x31211101;
	v1 =	vimm.s32 $0x71615141;
	s6 =	sor.u32 s5, s30;
	s8 =	ssub.s32 $0x2, s5;
	s5 =	smul.u32 $0x1900, s5  }
0x7: {  	v2 =	vimm.s32 $0x30201000;
	v3 =	vimm.s32 $0x70605040;
	[smem:$0x7FF] =	sst s3;
	v0 =	vunpack.c.0.s8.s32 v0;
	s6 =	smul.u32 $0x1900, s6;
	s9 =	sshrl.u32 s8, $0x1  }
0x8: {  	v1 =	vunpack.c.0.s8.s32 v1;
	v2 =	vunpack.c.0.s8.s32 v2;
	v3 =	vunpack.c.0.s8.s32 v3;
	_ =	strace $0x8000004A;
	s7 =	sadd.s32 s7, s4;
	s31 =	ssub.s32 s8, s9  }
0x9: {  	vm0 =	vcmask $0x1F10;
	s7 =	sadd.s32 s5, s7;
	s8 =	simm.s32 $0x1900;
	s6 =	sshrl.u32 s6, $0x3  }
0xa: {  	v0 =	vsel vm0, v1, v0;
	v1 =	vsel vm0, v3, v2;
	s9 =	simm.s32 $0x80;
	s5 =	smax.u32 s31, $0x1;
	s4 =	sadd.s32 s6, s4  }
0xb: {  	v0 =	vcombine.low v1, v0;
	s6 =	sadd.s32 $0x8600, s7;
	s7 =	simm.s32 $0x3;
	s4 =	sadd.s32 $0x2200, s4  }
.LBB2_1:
0xc: {  	[tilespmem:s3], [sflag:$0x3] =	stream.linear.gather [hbm4b:s4+s3], $0x1900, $0x38;
	[tilespmem:$0xFA00] =	vst v63  }
0xd: {  	_ =	swait.ge [sflag:s7], $0x1900  }
0xe: {  	[sflag:s7] =	ssyncset.done $0x0  }
0xf: {  	[sflag:s7] =	ssyncadd.s32 $0xFFFFE700  }
0x10: {  	v1 =	vld [tilespmem:s3+$0x0]  }
0x11: {  	s13 =	simm.s32 $0x0  }
0x12: {  	s14 =	sand.u32 $0xE, s3;
	s13 =	sand.u32 $0xFFFFFF80, s13  }
0x13: {  	s13 =	sor.u32 s14, s13  }
0x14: {  	v2 =	vor.u32 s13, v0  }
0x15: {  	v1 =	vadd.s32 $0xFFFF63C0, v1  }
0x16: {  	vm0 =	vgt.s32 v1, $0x0  }
0x17: {  	v1 =	vnsel vm0, $0x0, v1  }
0x18: {  	v1 =	vmin.u32 v1, $0xEA5FF  }
0x19: {  	s13 =	simm.s32 $0x10;
	[tilespmem:v2+s8+$0x0] =	vst.idx.msk $0xffff, v1  }
0x1a: {  	s16 =	simm.s32 $0x1;
	s15 =	simm.s32 $0x2;
	s14 =	simm.s32 $0x0;
	v1 =	vld [tilespmem:s13+$0x0]  }
.LBB2_2:
0x1b: {  	p0 =	sne.s32 s15, $0x18F;
	s16 =	sshll.u32 s16, $0x4;
	s14 =	sadd.s32 $0x2, s14  }
0x1c: {  	s17 =	sand.u32 $0xE, s14;
	s18 =	sand.u32 $0xFFFFFF80, s16;
	s16 =	smov.u32 s15  }
0x1d: {  	s17 =	sor.u32 s17, s18  }
0x1e: {  	v2 =	vor.u32 s17, v0  }
0x1f: {  	v1 =	vadd.s32 $0xFFFF63C0, v1  }
.Ltmp0:
0x20: {  	vm0 =	vgt.s32 v1, $0x0;
	(pc) =	sbr.rel @p0 .LBB2_2-.Ltmp0, $4  }
0x21: {  	v1 =	vnsel vm0, $0x0, v1  }
0x22: {  	v1 =	vmin.u32 v1, $0xEA5FF  }
0x23: {  	s13 =	sadd.s32 $0x10, s13;
	[tilespmem:v2+s8+$0x0] =	vst.idx.msk $0xffff, v1  }
0x24: {  	s15 =	sadd.s32 $0x1, s15;
	v1 =	vld [tilespmem:s13+$0x0]  }
0x25: {  	s13 =	sshll.u32 s16, $0x4;
	s14 =	sadd.s32 $0x2, s14  }
0x26: {  	s14 =	sand.u32 $0xE, s14;
	s13 =	sand.u32 $0xFFFFFF80, s13  }
0x27: {  	s13 =	sor.u32 s14, s13  }
0x28: {  	v2 =	vor.u32 s13, v0  }
0x29: {  	p0 =	por $0x1, $0x1;
	v1 =	vadd.s32 $0xFFFF63C0, v1  }
.Ltmp1:
0x2a: {  	vm0 =	vgt.s32 v1, $0x0;
	(pc) =	sbr.rel @!p0 .LBB2_5-.Ltmp1, $4  }
0x2b: {  	v1 =	vnsel vm0, $0x0, v1  }
0x2c: {  	s31 =	simm.s32 $0x1900;
	v1 =	vmin.u32 v1, $0xEA5FF  }
0x2d: {  	s15 =	simm.s32 $0x3200;
	s14 =	simm.s32 $0x200;
	s13 =	simm.s32 $0x3200;
	[tilespmem:v2+s8+$0x0] =	vst.idx.msk $0xffff, v1  }
0x2e: {  	[tilespmem:s13], [sflag:$0x1] =	stream.indirect.gather [hbm4b:s2+s9], $0x8, s31, s9, $0xb8;
	[tilespmem:$0xFA00] =	vst v63  }
.LBB2_4:
0x2f: {  	p0 =	sne.s32 s14, $0x6200  }
.Ltmp2:
0x30: {  	_ = 	snop;
	(pc) =	sbr.rel @p0 .LBB2_4-.Ltmp2, $4  }
0x31: {  	_ = 	snop  }
0x32: {  	s16 =	sshra.s32 s14, $0x2;
	s14 =	sadd.s32 $0x200, s14  }
0x33: {  	s15 =	sadd.s32 $0x400, s15;
	s16 =	sadd.s32 $0x1900, s16  }
0x34: {  	[tilespmem:s15], [sflag:$0x1] =	stream.indirect.gather [hbm4b:s2+s9], $0x8, s16, s9, $0xb8;
	[tilespmem:$0xFA00] =	vst v63  }
.LBB2_5:
0x35: {  	p0 =	por $0x1, $0x1  }
.Ltmp3:
0x36: {  	_ =	swait.ge [sflag:s10], $0x400;
	(pc) =	sbr.rel @!p0 .LBB2_7-.Ltmp3, $4  }
0x37: {  	[sflag:s10] =	ssyncset.done $0x0  }
0x38: {  	s14 =	sadd.s32 $0x0, s6;
	[sflag:s10] =	ssyncadd.s32 $0xFFFFFC00  }
0x39: {  	[hbm4b:s14+s3] =	stream.linear.scatter [tilespmem:s13], [sflag:$0x2], $0x400, $0x38;
	[tilespmem:$0xFA00] =	vst v63  }
0x3a: {  	s14 =	simm.s32 $0x80  }
.LBB2_6:
0x3b: {  	_ =	swait.ge [sflag:s10], $0x400;
	p0 =	sne.s32 s14, $0x1880  }
.Ltmp4:
0x3c: {  	(pc) =	sbr.rel @p0 .LBB2_6-.Ltmp4, $4  }
0x3d: {  	_ = 	snop  }
0x3e: {  	s15 =	sadd.s32 s14, s6;
	s13 =	sadd.s32 $0x400, s13;
	[sflag:s10] =	ssyncset.done $0x0  }
0x3f: {  	s14 =	sadd.s32 $0x80, s14;
	[sflag:s10] =	ssyncadd.s32 $0xFFFFFC00  }
0x40: {  	[hbm4b:s15+s3] =	stream.linear.scatter [tilespmem:s13], [sflag:$0x2], $0x400, $0x38;
	[tilespmem:$0xFA00] =	vst v63  }
.LBB2_7:
0x41: {  	_ =	swait.ge [sflag:s11], $0x400  }
0x42: {  	s13 =	simm.s32 $0x31;
	[sflag:s11] =	ssyncset.done $0x0  }
.LBB2_8:
0x43: {  	p0 =	sne.s32 s13, $0x1;
	s13 =	sadd.s32 $0xFFFFFFFF, s13;
	[sflag:s11] =	ssyncadd.s32 $0xFFFFFC00  }
.Ltmp5:
0x44: {  	(pc) =	sbr.rel @p0 .LBB2_8-.Ltmp5, $3  }
0x45: {  	_ =	sdelay $0x1  }
0x46: {  	_ =	swait.ge [sflag:s11], $0x400  }
0x47: {  	[sflag:s11] =	ssyncset.done $0x0  }
0x48: {  	s12 =	sadd.s32 $0x1, s12  }
0x49: {  	p0 =	sne.s32 s12, s5  }
.Ltmp6:
0x4a: {  	_ = 	snop;
	(pc) =	sbr.rel @p0 .LBB2_1-.Ltmp6, $2  }
0x4b: {  	_ =	sdelay $0x2  }
0x4c: {  	[sflag:s11] =	ssyncadd.s32 $0xFFFFFC00  }
0x4d: {  	_ =	sfence.sel $0x180000  }
0x4e: {  	[bflag:$0x0] =	sbarrier.arrive $0xFFFF  }
0x4f: {  	p0 =	sne.s32 s0, $0x0;
	_ =	strace $0x9000004A  }
0x50: {  	s0 =	sadd.s32 @!p0 $0x100000, s1;
	[bflag:$0x2] =	sbarrier.arrive $0xFFFF  }
0x51: {  	[sflag:s0] =	ssyncadd.tile.s32 @!p0 $0x1;
	_ =	shalt  }
.Lfunc_end2:
_tile_overlayer_lowered:
.L_overlay_start_2:
0x52: {  	(tag) =	ssettag $0x2  }
0x53: {  	s0 =	rddreg [dreg:$0x0];
	s2 =	stileid.u32  }
0x54: {  	s1 =	rddreg [dreg:$0x1];
	p0 =	sne.s32 s2, $0x0  }
0x55: {  	s3 =	rddreg [dreg:$0x2];
	[bflag:$0x3] =	sbarrier.arrive $0xFFFF;
	s2 =	simm.s32 @!p0 $0x1C03  }
0x56: {  	[timem:s3], [sflag:s2] =	dma.local @!p0 [hbm:s0], s1  }
0x57: {  	s0 =	simm.s32 @!p0 $0x3  }
0x58: {  	_ =	swait.ge @!p0 [sflag:s0], s1  }
0x59: {  	s1 =	ssub.s32 @!p0 $0x0, s1;
	[sflag:s0] =	ssyncset.done @!p0 $0x0  }
0x5a: {  	[sflag:s0] =	ssyncadd.s32 @!p0 s1  }
0x5b: {  	[bflag:$0x3] =	sbarrier.arrive $0xFFFF  }
0x5c: {  	_ =	shalt  }

// kernel: kernel.13.cloned.1.call-start
scs
__scs_entry_jumppad:
0x0: {  	(pc) =	sbr.rel $0x88, $3  }
0x1: {  	(tag) =	ssettag $0x0;
	lr =	simm.s32 $0x1  }
0x2: {  	[smem:$0x3F9B] =	sst lr;
	_ =	strace $0xD0000000  }
0x3: {  	_ = 	snop  }
0x4: {  	_ = 	snop  }
0x5: {  	_ = 	snop  }
0x6: {  	_ = 	snop  }
0x7: {  	_ = 	snop  }
__scs_overlays_trampoline_lowered:
0x8: {  	[smem:$0x3FAA] =	sst s0  }
0x9: {  	[smem:$0x3FAB] =	sst s1  }
0xa: {  	[smem:$0x3FAC] =	sst s2  }
0xb: {  	[smem:$0x3FAD] =	sst s3  }
0xc: {  	[smem:$0x3FAE] =	sst s4  }
0xd: {  	[smem:$0x3FAF] =	sst s5  }
0xe: {  	[smem:$0x3FB0] =	sst s6  }
0xf: {  	[smem:$0x3FB1] =	sst s7  }
0x10: {  	[smem:$0x3FB2] =	sst s8  }
0x11: {  	[smem:$0x3FB3] =	sst s9;
	s0 =	simm.s32 @!p0 $0x0  }
0x12: {  	s1 =	sld [smem:$0x3F99];
	s0 =	simm.s32 @p0 $0x1  }
0x13: {  	[smem:$0x3FB4] =	sst s0;
	s0 =	simm.s32 @!p1 $0x0  }
0x14: {  	s2 =	sld [smem:$0x3F98];
	s0 =	simm.s32 @p1 $0x1  }
0x15: {  	[smem:$0x3FB5] =	sst s0;
	s0 =	simm.s32 @!p2 $0x0  }
0x16: {  	s3 =	sld [smem:$0x3FDB];
	s0 =	simm.s32 @p2 $0x1  }
0x17: {  	s4 =	simm.s32 $0x1BF5;
	[smem:$0x3FB7] =	sst s0  }
0x18: {  	s0 =	sld [smem:$0x3F9A];
	_ =	swait.ge [sflag:s4], $0x0  }
0x19: {  	s7 =	sld [smem:$0x3F9B]  }
0x1a: {  	s8 =	sadd.s32 $0xFFFFE003, lr  }
0x1b: {  	s9 =	sadd.s32 $0xFFFFFEF7, lr;
	s5 =	simm.s32 $0xFFFFFFFF;
	p2 =	slt.u32 s8, $0xFFFFF086  }
0x1c: {  	p1 =	slt.u32 s9, $0xF7A;
	s5 =	simm.s32 @!p2 $0x0  }
0x1d: {  	s5 =	simm.s32 @p1 $0x1;
	p0 =	seq.s32 s7, s2  }
0x1e: {  	s7 =	smul.u32 @!p0 $0xF7A, s2;
	p2 =	seq.s32 @!p0 s5, $0x0  }
0x1f: {  	s9 =	smul.u32 $0xF7A, s1;
	s8 =	simm.s32 @!p0 $0x1BF5;
	p2 =	por !p2, p0  }
0x20: {  	[sflag:s8] =	ssyncset.s32 @!p0 $0xFFFFF086;
	s6 =	sadd.s32 @!p0 s3, s7;
	s7 =	simm.s32 @!p0 $0x108  }
0x21: {  	s3 =	sadd.s32 s3, s9;
	s6 =	sadd.s32 @!p0 $0x88, s6;
	s7 =	simm.s32 @p2 $0x1082  }
0x22: {  	[simem:s7], [sflag:s8] =	dma.local @!p0 [hbm:s6], $0xF7A  }
0x23: {  	s9 =	sor.u32 $0xD0000000, s2;
	s6 =	simm.s32 $0x108;
	_ =	swait.ge @!p0 [sflag:s8], $0x0  }
0x24: {  	s3 =	sadd.s32 $0x88, s3;
	s6 =	simm.s32 @!p1 $0x1082;
	[sflag:s4] =	ssyncset.s32 $0xFFFFF086  }
0x25: {  	[simem:s6], [sflag:s4] =	dma.local [hbm:s3], $0xF7A  }
0x26: {  	[smem:$0x3F9B] =	sst s1;
	(tag) =	ssettag s2;
	_ =	strace s9  }
0x27: {  	s1 =	sld [smem:$0x3FAB]  }
0x28: {  	s2 =	sld [smem:$0x3FAC]  }
0x29: {  	s4 =	sld [smem:$0x3FAE]  }
0x2a: {  	p0 =	seq.s32 s5, $0x0;
	s5 =	sld [smem:$0x3FAF]  }
0x2b: {  	s6 =	sld [smem:$0x3FB0]  }
0x2c: {  	s7 =	sld [smem:$0x3FB1]  }
0x2d: {  	s3 =	simm.s32 $0x108;
	s8 =	sld [smem:$0x3FB2]  }
0x2e: {  	s3 =	simm.s32 @!p0 $0x1082;
	s9 =	sld [smem:$0x3FB3]  }
0x2f: {  	lr =	sadd.s32 s0, s3;
	s0 =	sld [smem:$0x3FAA]  }
0x30: {  	s3 =	sld [smem:$0x3FAD]  }
0x31: {  	[smem:$0x3FB6] =	sst s10  }
0x32: {  	s10 =	sld [smem:$0x3FB4];
	_ =	sdelay $0x3  }
0x33: {  	p0 =	seq.s32 s10, $0x1;
	s10 =	sld [smem:$0x3FB6];
	_ =	sdelay $0x3  }
0x34: {  	[smem:$0x3FB6] =	sst s10  }
0x35: {  	s10 =	sld [smem:$0x3FB5];
	_ =	sdelay $0x3  }
0x36: {  	p1 =	seq.s32 s10, $0x1;
	s10 =	sld [smem:$0x3FB6];
	_ =	sdelay $0x3  }
0x37: {  	[smem:$0x3FB6] =	sst s10  }
0x38: {  	s10 =	sld [smem:$0x3FB7]  }
0x39: {  	_ = 	snop;
	(pc) =	sbr.ind lr, $3  }
0x3a: {  	_ = 	snop  }
0x3b: {  	_ = 	snop  }
0x3c: {  	p2 =	seq.s32 s10, $0x1;
	s10 =	sld [smem:$0x3FB6]  }
0x3d: {  	_ =	shalt  }
0x3e: {  	_ =	shalt  }
0x3f: {  	_ =	shalt  }
0x40: {  	_ =	shalt  }
0x41: {  	_ =	shalt  }
0x42: {  	_ =	shalt  }
0x43: {  	_ =	shalt  }
0x44: {  	_ =	shalt  }
0x45: {  	_ =	shalt  }
0x46: {  	_ =	shalt  }
0x47: {  	_ =	shalt  }
0x48: {  	_ =	shalt  }
0x49: {  	_ =	shalt  }
0x4a: {  	_ =	shalt  }
0x4b: {  	_ =	shalt  }
0x4c: {  	_ =	shalt  }
0x4d: {  	_ =	shalt  }
0x4e: {  	_ =	shalt  }
0x4f: {  	_ =	shalt  }
0x50: {  	_ =	shalt  }
0x51: {  	_ =	shalt  }
0x52: {  	_ =	shalt  }
0x53: {  	_ =	shalt  }
0x54: {  	_ =	shalt  }
0x55: {  	_ =	shalt  }
0x56: {  	_ =	shalt  }
0x57: {  	_ =	shalt  }
0x58: {  	_ =	shalt  }
0x59: {  	_ =	shalt  }
0x5a: {  	_ =	shalt  }
0x5b: {  	_ =	shalt  }
0x5c: {  	_ =	shalt  }
0x5d: {  	_ =	shalt  }
0x5e: {  	_ =	shalt  }
0x5f: {  	_ =	shalt  }
0x60: {  	_ =	shalt  }
0x61: {  	_ =	shalt  }
0x62: {  	_ =	shalt  }
0x63: {  	_ =	shalt  }
0x64: {  	_ =	shalt  }
0x65: {  	_ =	shalt  }
0x66: {  	_ =	shalt  }
0x67: {  	_ =	shalt  }
0x68: {  	_ =	shalt  }
0x69: {  	_ =	shalt  }
0x6a: {  	_ =	shalt  }
0x6b: {  	_ =	shalt  }
0x6c: {  	_ =	shalt  }
0x6d: {  	_ =	shalt  }
0x6e: {  	_ =	shalt  }
0x6f: {  	_ =	shalt  }
0x70: {  	_ =	shalt  }
0x71: {  	_ =	shalt  }
0x72: {  	_ =	shalt  }
0x73: {  	_ =	shalt  }
0x74: {  	_ =	shalt  }
0x75: {  	_ =	shalt  }
0x76: {  	_ =	shalt  }
0x77: {  	_ =	shalt  }
0x78: {  	_ =	shalt  }
0x79: {  	_ =	shalt  }
0x7a: {  	_ =	shalt  }
0x7b: {  	_ =	shalt  }
0x7c: {  	_ =	shalt  }
0x7d: {  	_ =	shalt  }
0x7e: {  	_ =	shalt  }
0x7f: {  	_ =	shalt  }
0x80: {  	_ =	shalt  }
0x81: {  	_ =	shalt  }
0x82: {  	_ =	shalt  }
0x83: {  	_ =	shalt  }
0x84: {  	_ =	shalt  }
0x85: {  	_ =	shalt  }
0x86: {  	_ =	shalt  }
0x87: {  	_ =	shalt  }
.Lfunc_end0:
.L_simem_size_0:
called_computation.2_lowered:
.L_overlay_start_0:
0x88: {  	s2 =	sld [smem:$0x3FD9]  }
0x89: {  	s3 =	sld [smem:$0x3FFE];
	_ =	sdelay $0x1  }
0x8a: {  	s1 =	srdreg.scid  }
0x8b: {  	s0 =	sand.u32 $0x1, s1  }
0x8c: {  	s17 =	sshll.u32 s0, $0xA;
	s2 =	sadd.s32 s3, s2  }
0x8d: {  	s2 =	sadd.s32 s2, s17  }
0x8e: {  	[smem:$0x3FC2] =	sst s2  }
0x8f: {  	_ = 	snop  }
0x90: {  	s2 =	sld [smem:$0x3FD0];
	(tm) =	ssettm $0x1  }
0x91: {  	s18 =	sld [smem:$0x3FFB];
	_ =	sdelay $0x3  }
0x92: {  	_ =	strace s18  }
0x93: {  	s3 =	sld [smem:$0x3FFC];
	_ =	sdelay $0x3  }
0x94: {  	_ =	strace s3  }
0x95: {  	s3 =	sld [smem:$0x3FFD];
	_ =	sdelay $0x3  }
0x96: {  	_ =	strace s3  }
0x97: {  	_ =	strace $0x8FFFFFFF  }
0x98: {  	s19 =	sld [smem:$0x3FDB];
	_ =	sdelay $0x1  }
0x99: {  	s4 =	simm.s32 $_scs_section_size  }
0x9a: {  	s5 =	simm.s32 $_size__tile_overlayer_lowered;
	s6 =	simm.s32 $_tile_overlayer_lowered  }
0x9b: {  	s22 =	simm.s32 $0x1BFF;
	s21 =	sshll.u32 s6, $0x1;
	s3 =	sadd.s32 s4, s19  }
0x9c: {  	s7 =	simm.s32 $0x0;
	s20 =	sshll.u32 s5, $0x1;
	s5 =	sadd.s32 s21, s3  }
0x9d: {  	[timem:s7], [sflag:s22] =	dma.local [hbm:s5], s20  }
0x9e: {  	_ =	swait.ge [sflag:s22], s20  }
0x9f: {  	s4 =	ssub.s32 $0x0, s20;
	[sflag:s22] =	ssyncset.done $0x0  }
0xa0: {  	[sflag:s22] =	ssyncadd.s32 s4;
	_ =	sdelay $0x1  }
0xa1: {  	s23 =	simm.s32 $0x1B8B  }
0xa2: {  	_ =	swait.ge [sflag:s23], $0x1  }
0xa3: {  	[sflag:s23] =	ssyncset.done $0x0  }
0xa4: {  	s25 =	simm.s32 $0x1B8E;
	s24 =	sld [smem:$0x3FFE];
	[sflag:s23] =	ssyncadd.s32 $0xFFFFFFFF  }
0xa5: {  	s26 =	simm.s32 $execute0_lowered;
	[smem:$0x3FD2] =	sst s25  }
0xa6: {  	s5 =	sshll.u32 s26, $0x1;
	_ =	strace $0x8000004C;
	[dreg:$0x1] =	wrdreg $0xFFFFFFFF  }
0xa7: {  	s28 =	simm.s32 $_size_execute0_lowered;
	s3 =	sadd.s32 s3, s5;
	[dreg:$0x0] =	wrdreg $0x0  }
0xa8: {  	s5 =	sshll.u32 s28, $0x1;
	[dreg:$0x2] =	wrdreg s3  }
0xa9: {  	[dreg:$0x3] =	wrdreg s5  }
0xaa: {  	[dreg:$0x4] =	wrdreg $0xC0  }
0xab: {  	_ =	task [dreg:s7], $0x5FFFF  }
0xac: {  	[dreg:$0x1] =	wrdreg $0xFFFFFFFF  }
0xad: {  	[dreg:$0x0] =	wrdreg $0x60  }
0xae: {  	[dreg:$0x2] =	wrdreg s24  }
0xaf: {  	[dreg:$0x3] =	wrdreg s2  }
0xb0: {  	[dreg:$0x4] =	wrdreg $0x9  }
0xb1: {  	_ =	task.clear_ibuf [dreg:s7], $0x5FFFF;
	_ =	strace $0x9000004C  }
0xb2: {  	s29 =	simm.s32 $0x9;
	_ =	strace $0x8000004E  }
0xb3: {  	_ =	swait.ge [sflag:s29], $0x1  }
0xb4: {  	[sflag:s29] =	ssyncadd.s32 $0xFFFFFFFF  }
0xb5: {  	_ =	strace $0x9000004E  }
0xb6: {  	_ =	sfence  }
0xb7: {  	s30 =	sld [smem:$0x0];
	_ =	sdelay $0x2  }
0xb8: {  	s31 =	sshll.u32 s1, $0xD;
	s1 =	sshrl.u32 s1, $0x2  }
0xb9: {  	s3 =	sand.u32 $0x4000, s31;
	s1 =	sadd.s32 s1, s30  }
0xba: {  	s0 =	sor.u32 s3, s0;
	s1 =	sshll.u32 s1, $0x11  }
0xbb: {  	s0 =	sor.u32 s1, s0  }
0xbc: {  	s0 =	sadd.s32 $0x8F2B, s0  }
0xbd: {  	[sflag:s0] =	ssyncadd.remote.s32 $0x1  }
0xbe: {  	_ =	sfence.sel $0xFFFF  }
0xbf: {  	[dreg:$0x0] =	wrdreg $0xFFFFFFFF;
	(pc) =	sbr.abs _section_cstart, $3  }
0xc0: {  	[dreg:$0x1] =	wrdreg $0xFFFFFFFF  }
0xc1: {  	_ =	task.clear_ibuf [dreg:s7], $0x2FFFF;
	_ =	strace $0x9FFFFFFF  }
0xc2: {  	(tm) =	ssettm $0x7FFFFFFF  }
0xc3: {  	_ =	shalt  }
tec
execute0_lowered:
.L_overlay_start_1:
0x0: {  	(tag) =	ssettag $0x1  }
0x1: {  	s4 =	rddreg [dreg:$0x0];
	s1 =	srdreg.scid  }
0x2: {  	s0 =	stileid.u32;
	s2 =	rddreg [dreg:$0x1];
	s3 =	simm.s32 $0x0  }
0x3: {  	s10 =	simm.s32 $0x3280;
	s11 =	simm.s32 $0x1;
	s12 =	simm.s32 $0x80  }
0x4: {  	s13 =	simm.s32 $0x4C00;
	s5 =	sand.u32 $0x1, s1;
	s6 =	sshll.u32 s0, $0x1  }
0x5: {  	s14 =	simm.s32 $0x2;
	s9 =	smul.u32 $0x3200, s0;
	s6 =	sor.u32 s5, s6  }
0x6: {  	s15 =	simm.s32 $0x0;
	s1 =	rddreg [dreg:$0x2];
	s6 =	smul.u32 $0x1900, s6  }
.Ltmp0:
0x7: {  	[smem:$0x7FF] =	sst s3;
	s7 =	ssub.s32 $0x2, s5;
	(pc) =	sbr.rel .LBB2_1-.Ltmp0, $4  }
0x8: {  	_ =	strace $0x8000004D;
	s8 =	sshrl.u32 s7, $0x1;
	s6 =	sshrl.u32 s6, $0x3  }
0x9: {  	s31 =	smul.u32 $0x1900, s5;
	s7 =	ssub.s32 s7, s8;
	s6 =	sadd.s32 s6, s4  }
0xa: {  	s8 =	simm.s32 $0x3;
	s4 =	sadd.s32 $0x3A600, s4;
	s5 =	sadd.s32 $0x2200, s6  }
0xb: {  	v0 =	vimm.s32 $0x0;
	v1 =	vlaneseq.u32;
	s6 =	smax.u32 s7, $0x1;
	s7 =	sadd.s32 s31, s9;
	s9 =	simm.s32 $0x1900  }
.LBB2_8:
0xc: {  	[sflag:s14] =	ssyncadd.s32 $0xFFFFC000  }
.LBB2_9:
0xd: {  	s15 =	sadd.s32 $0x1, s15  }
0xe: {  	p0 =	sne.s32 s15, s6  }
.Ltmp1:
0xf: {  	_ = 	snop;
	(pc) =	sbr.rel @!p0 .LBB2_10-.Ltmp1, $1  }
0x10: {  	_ =	sdelay $0x3  }
.LBB2_1:
0x11: {  	[tilespmem:s3], [sflag:$0x3] =	stream.linear.gather [hbm4b:s5+s3], $0x1900, $0x38;
	[tilespmem:$0x8C00] =	vst v63  }
0x12: {  	_ =	swait.ge [sflag:s8], $0x1900  }
0x13: {  	[sflag:s8] =	ssyncset.done $0x0  }
0x14: {  	s16 =	simm.s32 $0x0;
	[sflag:s8] =	ssyncadd.s32 $0xFFFFE700  }
0x15: {  	v3 =	vld [tilespmem:s16+$0x0];
	_ =	sdelay $0x4  }
0x16: {  	vm0 =	vlt.s32 v3, $0x9C40  }
0x17: {  	v2 =	vsel vm0, $0x1, v0  }
0x18: {  	(xrf0) =	vadd.scan.msk.s32 $0xffff, v2;
	_ =	sdelay $0x2  }
0x19: {  	v2 =	vmov s3  }
0x1a: {  	v2 =	vadd.s32 $0xFFFFFFFF, v2  }
0x1b: {  	v2 =	vbroadcast v2, $0x0  }
0x1c: {  	v4, _, _ =	vpop (xrf0)  }
0x1d: {  	v2 =	vadd.s32 v4, v2;
	(v2sf) =	vpush v4, $0xF  }
0x1e: {  	v4 =	vshra.s32 v2, $0x1F  }
0x1f: {  	v4 =	vshrl.u32 v4, $0x19  }
0x20: {  	v4 =	vadd.s32 v4, v2  }
0x21: {  	v4 =	vshra.s32 v4, $0x7  }
0x22: {  	v5 =	vshll.u32 v4, $0x7  }
0x23: {  	vm1 =	vlt.s32 v2, $0x1;
	vm2 =	vne.s32 v2, v5  }
0x24: {  	vm1 =	vmand vm1, vm2  }
0x25: {  	v5 =	vsel vm1, $0xFFFFFFFF, v0  }
0x26: {  	v4 =	vadd.s32 v5, v4  }
0x27: {  	v2 =	vand.u32 $0x7F, v2;
	v4 =	vshll.u32 v4, $0x7  }
0x28: {  	v2 =	vor.u32 v2, v4;
	_ =	sdelay $0x2  }
0x29: {  	vm1 =	vlt.s32 v3, $0x9C3F  }
0x2a: {  	s18 =	simm.s32 $0x40;
	v4 =	vnsel vm1, $0x9C3F, v3;
	s31 =	spop (v2sf)  }
0x2b: {  	s19 =	simm.s32 $0x80;
	s16 =	smov.u32 s7;
	v3 =	vor.u32 s7, v1;
	[tilespmem:v2+s9+$0x0] =	vst.idx.msk vm0, v4;
	s17 =	sadd.s32 $0x0, s31  }
.LBB2_2:
0x2c: {  	s20 =	sshra.s32 s18, $0x2  }
0x2d: {  	[tilespmem:v2+s10+$0x0] =	vst.idx.msk vm0, v3;
	s16 =	sadd.s32 $0x10, s16;
	s18 =	smov.u32 s19;
	s21 =	sadd.s32 $0x40, s19  }
0x2e: {  	p0 =	sne.s32 s19, $0x63C0;
	v2 =	vld [tilespmem:s20+$0x0];
	_ =	sdelay $0x4  }
0x2f: {  	vm0 =	vlt.s32 v2, $0x9C40;
	vm1 =	vlt.s32 v2, $0x9C3F  }
0x30: {  	v3 =	vsel vm0, $0x1, v0;
	v4 =	vnsel vm1, $0x9C3F, v2  }
0x31: {  	(xrf0) =	vadd.scan.msk.s32 $0xffff, v3;
	_ =	sdelay $0x2  }
0x32: {  	v2 =	vmov s17  }
0x33: {  	v2 =	vadd.s32 $0xFFFFFFFF, v2  }
0x34: {  	v2 =	vbroadcast v2, $0x0  }
0x35: {  	v3, _, _ =	vpop (xrf0)  }
0x36: {  	v2 =	vadd.s32 v3, v2;
	(v2sf) =	vpush v3, $0xF  }
0x37: {  	v3 =	vshra.s32 v2, $0x1F  }
0x38: {  	v3 =	vshrl.u32 v3, $0x19  }
0x39: {  	v3 =	vadd.s32 v3, v2  }
0x3a: {  	v3 =	vshra.s32 v3, $0x7  }
0x3b: {  	v5 =	vshll.u32 v3, $0x7  }
0x3c: {  	vm1 =	vlt.s32 v2, $0x1;
	vm2 =	vne.s32 v2, v5  }
0x3d: {  	vm1 =	vmand vm1, vm2  }
0x3e: {  	v5 =	vsel vm1, $0xFFFFFFFF, v0  }
0x3f: {  	v3 =	vadd.s32 v5, v3  }
0x40: {  	v2 =	vand.u32 $0x7F, v2;
	v3 =	vshll.u32 v3, $0x7  }
0x41: {  	v2 =	vor.u32 v2, v3  }
.Ltmp2:
0x42: {  	(pc) =	sbr.rel @p0 .LBB2_2-.Ltmp2, $3  }
0x43: {  	_ =	sdelay $0x1  }
0x44: {  	s19 =	spop (v2sf)  }
0x45: {  	v3 =	vor.u32 s16, v1;
	[tilespmem:v2+s9+$0x0] =	vst.idx.msk vm0, v4;
	s17 =	sadd.s32 s17, s19;
	s19 =	smov.u32 s21  }
0x46: {  	_ =	sdelay $0x4  }
0x47: {  	s18 =	sshra.s32 s18, $0x2;
	[tilespmem:v2+s10+$0x0] =	vst.idx.msk vm0, v3  }
0x48: {  	v2 =	vld [tilespmem:s18+$0x0];
	_ =	sdelay $0x4  }
0x49: {  	vm10 =	vlt.s32 v2, $0x9C40  }
0x4a: {  	v3 =	vsel vm10, $0x1, v0  }
0x4b: {  	(xrf0) =	vadd.scan.msk.s32 $0xffff, v3;
	_ =	sdelay $0x5  }
0x4c: {  	v3, _, _ =	vpop (xrf0)  }
0x4d: {  	(v2sf) =	vpush v3, $0xF;
	_ =	sdelay $0xb  }
0x4e: {  	v4 =	vmov s17  }
0x4f: {  	v4 =	vadd.s32 $0xFFFFFFFF, v4  }
0x50: {  	v4 =	vbroadcast v4, $0x0  }
0x51: {  	s29 =	spop (v2sf)  }
0x52: {  	v3 =	vadd.s32 v3, v4;
	s17 =	sadd.s32 s17, s29  }
0x53: {  	v4 =	vshra.s32 v3, $0x1F;
	s18 =	sadd.s32 $0xFFFFFFFF, s17  }
0x54: {  	v4 =	vshrl.u32 v4, $0x19;
	p0 =	sgt.s32 s18, $0x0  }
0x55: {  	v4 =	vadd.s32 v4, v3;
	p1 =	slt.s32 s18, $0x1;
	s18 =	simm.s32 @!p0 $0x0  }
0x56: {  	v4 =	vshra.s32 v4, $0x7;
	s19 =	sand.u32 $0x7F, s18  }
0x57: {  	v5 =	vshll.u32 v4, $0x7;
	p6 =	sne.s32 s19, $0x0  }
0x58: {  	vm1 =	vlt.s32 v3, $0x1;
	vm2 =	vne.s32 v3, v5;
	p0 =	por !p1, !p6  }
0x59: {  	s20 =	simm.s32 $0x1;
	vm1 =	vmand vm1, vm2;
	s21 =	sadd.s32 $0x0, s17;
	p0 =	por !p0, !p0  }
0x5a: {  	v6 =	vsel vm1, $0xFFFFFFFF, v0;
	v5 =	vadd.s32 s21, v1;
	s18 =	sshrl.u32 s18, $0x7;
	s20 =	simm.s32 @!p0 $0x0  }
0x5b: {  	v4 =	vadd.s32 v6, v4;
	v6 =	vshra.s32 v5, $0x1F;
	s18 =	ssub.s32 s18, s20  }
0x5c: {  	v3 =	vand.u32 $0x7F, v3;
	v6 =	vshrl.u32 v6, $0x19;
	s18 =	sshll.u32 s18, $0x7  }
0x5d: {  	v4 =	vshll.u32 v4, $0x7;
	v6 =	vadd.s32 v6, v5;
	v7 =	vmov s18  }
0x5e: {  	v3 =	vor.u32 v3, v4;
	s30 =	sadd.s32 $0x10, s17;
	v6 =	vshra.s32 v6, $0x7;
	v4 =	vor.u32 s19, v7  }
0x5f: {  	v8 =	vadd.s32 s30, v1;
	v7 =	vbroadcast v4, $0x0;
	v4 =	vshll.u32 v6, $0x7  }
0x60: {  	vm11 =	vlt.s32 v5, $0x1;
	vm12 =	vne.s32 v5, v4;
	v4 =	vshra.s32 v8, $0x1F  }
0x61: {  	vm13 =	vlt.s32 v2, $0x9C3F;
	vm1 =	vmand vm11, vm12;
	v4 =	vshrl.u32 v4, $0x19  }
0x62: {  	s16 =	sadd.s32 $0x10, s16;
	v2 =	vnsel vm13, $0x9C3F, v2;
	v9 =	vsel vm1, $0xFFFFFFFF, v0;
	v4 =	vadd.s32 v4, v8  }
0x63: {  	[tilespmem:v3+s9+$0x0] =	vst.idx.msk vm10, v2;
	v2 =	vor.u32 s16, v1;
	s31 =	sadd.s32 $0x20, s17;
	v6 =	vadd.s32 v9, v6;
	v9 =	vshra.s32 v4, $0x7  }
0x64: {  	[tilespmem:v3+s10+$0x0] =	vst.idx.msk vm10, v2;
	v4 =	vand.u32 $0x7F, v5;
	v5 =	vadd.s32 s31, v1;
	v3 =	vshll.u32 v6, $0x7  }
0x65: {  	v6 =	vshll.u32 v9, $0x7;
	v2 =	vld.idx.msk [tilespmem:v7+s9+$0x0], $0xffff;
	v4 =	vor.u32 v4, v3;
	v3 =	vshra.s32 v5, $0x1F  }
0x66: {  	vm14 =	vlt.s32 v8, $0x1;
	vm15 =	vne.s32 v8, v6;
	v6 =	vshrl.u32 v3, $0x19;
	v3 =	vld.idx.msk [tilespmem:v7+s10+$0x0], $0xffff  }
0x67: {  	vm0 =	vmand vm14, vm15  }
0x68: {  	v10 =	vsel vm0, $0xFFFFFFFF, v0  }
0x69: {  	v6 =	vadd.s32 v6, v5;
	v7 =	vadd.s32 v10, v9  }
0x6a: {  	s16 =	simm.s32 $0x30;
	v8 =	vand.u32 $0x7F, v8;
	v6 =	vshra.s32 v6, $0x7;
	v7 =	vshll.u32 v7, $0x7;
	[tilespmem:v4+s9+$0x0] =	vst.idx.msk $0xffff, v2  }
.LBB2_4:
0x6b: {  	s18 =	sadd.s32 s16, s17;
	v9 =	vshll.u32 v6, $0x7;
	[tilespmem:v4+s10+$0x0] =	vst.idx.msk $0xffff, v3;
	v4 =	vor.u32 v8, v7;
	p0 =	sne.s32 s16, $0x70  }
.Ltmp3:
0x6c: {  	s16 =	sadd.s32 $0x10, s16;
	vm0 =	vlt.s32 v5, $0x1;
	v10 =	vadd.s32 s18, v1;
	vm1 =	vne.s32 v5, v9;
	(pc) =	sbr.rel @p0 .LBB2_4-.Ltmp3, $4  }
0x6d: {  	v7 =	vshra.s32 v10, $0x1F;
	vm0 =	vmand vm0, vm1  }
0x6e: {  	v7 =	vshrl.u32 v7, $0x19;
	v8 =	vsel vm0, $0xFFFFFFFF, v0  }
0x6f: {  	v7 =	vadd.s32 v7, v10;
	v8 =	vadd.s32 v8, v6  }
0x70: {  	v6 =	vshra.s32 v7, $0x7;
	v7 =	vshll.u32 v8, $0x7;
	v8 =	vand.u32 $0x7F, v5;
	[tilespmem:v4+s9+$0x0] =	vst.idx.msk $0xffff, v2;
	v5 =	vmovc v10  }
0x71: {  	v9 =	vshll.u32 v6, $0x7;
	s16 =	sadd.s32 $0x7F, s17  }
0x72: {  	vm0 =	vlt.s32 v5, $0x1;
	vm1 =	vne.s32 v5, v9;
	s17 =	sand.u32 $0x7F, s16  }
0x73: {  	s31 =	sshra.s32 s16, $0x1F;
	p1 =	slt.s32 s16, $0x1;
	vm0 =	vmand vm0, vm1;
	p0 =	sne.s32 s17, $0x0  }
0x74: {  	s17 =	sshrl.u32 s31, $0x19;
	v61 =	vsel vm0, $0xFFFFFFFF, v0;
	p0 =	por !p1, !p0  }
0x75: {  	v7 =	vor.u32 v8, v7;
	s16 =	sadd.s32 s17, s16;
	s17 =	simm.s32 $0x1;
	v62 =	vadd.s32 v61, v6;
	p0 =	por !p0, !p0  }
0x76: {  	v63 =	vand.u32 $0x7F, v5;
	s16 =	sshra.s32 s16, $0x7;
	v6 =	vshll.u32 v62, $0x7;
	s17 =	simm.s32 @!p0 $0x0  }
0x77: {  	v5 =	vor.u32 v63, v6;
	s18 =	ssub.s32 s16, s17  }
0x78: {  	p0 =	slt.s32 s18, $0x1  }
.Ltmp4:
0x79: {  	[tilespmem:v4+s10+$0x0] =	vst.idx.msk $0xffff, v3;
	(pc) =	sbr.rel @p0 .LBB2_9-.Ltmp4, $4  }
0x7a: {  	[tilespmem:v7+s9+$0x0] =	vst.idx.msk $0xffff, v2  }
0x7b: {  	[tilespmem:v7+s10+$0x0] =	vst.idx.msk $0xffff, v3  }
0x7c: {  	[tilespmem:v5+s9+$0x0] =	vst.idx.msk $0xffff, v2  }
0x7d: {  	[tilespmem:v5+s10+$0x0] =	vst.idx.msk $0xffff, v3  }
0x7e: {  	s16 =	simm.s32 $0x1900  }
0x7f: {  	[tilespmem:s13], [sflag:$0x1] =	stream.indirect.gather [hbm4b:s4+s12], $0x80, s16, s12, $0xb8;
	[tilespmem:$0x8C00] =	vst v63  }
0x80: {  	p0 =	sne.s32 s18, $0x1;
	_ =	swait.ge [sflag:s11], $0x4000  }
.Ltmp5:
0x81: {  	[sflag:s11] =	ssyncset.done $0x0;
	(pc) =	sbr.rel @!p0 .LBB2_8-.Ltmp5, $4  }
0x82: {  	s17 =	simm.s32 $0x3280;
	[sflag:s11] =	ssyncadd.s32 $0xFFFFC000  }
0x83: {  	[hbm4b:s2+s12] =	stream.indirect.scatter [tilespmem:s13], [sflag:$0x2], $0x80, s17, s12, $0xb8;
	[tilespmem:$0x8C00] =	vst v63  }
0x84: {  	_ =	swait.ge [sflag:s14], $0x4000  }
0x85: {  	s18 =	sadd.s32 $0xFFFFFFFF, s18;
	[sflag:s14] =	ssyncset.done $0x0  }
.LBB2_7:
0x86: {  	[sflag:s14] =	ssyncadd.s32 $0xFFFFC000;
	s16 =	sadd.s32 $0x80, s16;
	s17 =	sadd.s32 $0x80, s17  }
0x87: {  	[tilespmem:s13], [sflag:$0x1] =	stream.indirect.gather [hbm4b:s4+s12], $0x80, s16, s12, $0xb8;
	[tilespmem:$0x8C00] =	vst v63  }
0x88: {  	p0 =	sne.s32 s18, $0x1;
	s18 =	sadd.s32 $0xFFFFFFFF, s18;
	_ =	swait.ge [sflag:s11], $0x4000  }
.Ltmp6:
0x89: {  	[sflag:s11] =	ssyncset.done $0x0;
	(pc) =	sbr.rel @p0 .LBB2_7-.Ltmp6, $4  }
0x8a: {  	[sflag:s11] =	ssyncadd.s32 $0xFFFFC000  }
0x8b: {  	[hbm4b:s2+s12] =	stream.indirect.scatter [tilespmem:s13], [sflag:$0x2], $0x80, s17, s12, $0xb8;
	[tilespmem:$0x8C00] =	vst v63  }
0x8c: {  	_ =	swait.ge [sflag:s14], $0x4000  }
0x8d: {  	[sflag:s14] =	ssyncset.done $0x0  }
.Ltmp7:
0x8e: {  	_ = 	snop;
	(pc) =	sbr.rel .LBB2_8-.Ltmp7, $1  }
0x8f: {  	_ =	sdelay $0x3  }
.LBB2_10:
0x90: {  	_ =	sfence.sel $0x180000  }
0x91: {  	[bflag:$0x0] =	sbarrier.arrive $0xFFFF  }
0x92: {  	p0 =	sne.s32 s0, $0x0;
	_ =	strace $0x9000004D  }
0x93: {  	s0 =	sadd.s32 @!p0 $0x100000, s1;
	[bflag:$0x2] =	sbarrier.arrive $0xFFFF  }
0x94: {  	[sflag:s0] =	ssyncadd.tile.s32 @!p0 $0x1;
	_ =	shalt  }
.Lfunc_end2:
_tile_overlayer_lowered:
.L_overlay_start_2:
0x95: {  	(tag) =	ssettag $0x2  }
0x96: {  	s0 =	rddreg [dreg:$0x0];
	s2 =	stileid.u32  }
0x97: {  	s1 =	rddreg [dreg:$0x1];
	p0 =	sne.s32 s2, $0x0  }
0x98: {  	s3 =	rddreg [dreg:$0x2];
	[bflag:$0x3] =	sbarrier.arrive $0xFFFF;
	s2 =	simm.s32 @!p0 $0x1C03  }
0x99: {  	[timem:s3], [sflag:s2] =	dma.local @!p0 [hbm:s0], s1  }
0x9a: {  	s0 =	simm.s32 @!p0 $0x3  }
0x9b: {  	_ =	swait.ge @!p0 [sflag:s0], s1  }
0x9c: {  	s1 =	ssub.s32 @!p0 $0x0, s1;
	[sflag:s0] =	ssyncset.done @!p0 $0x0  }
0x9d: {  	[sflag:s0] =	ssyncadd.s32 @!p0 s1  }
0x9e: {  	[bflag:$0x3] =	sbarrier.arrive $0xFFFF  }
0x9f: {  	_ =	shalt  }

// kernel: kernel.7.cloned.1.call-start
scs
__scs_entry_jumppad:
0x0: {  	(pc) =	sbr.rel $0x88, $3  }
0x1: {  	(tag) =	ssettag $0x0;
	lr =	simm.s32 $0x1  }
0x2: {  	[smem:$0x3F9B] =	sst lr;
	_ =	strace $0xD0000000  }
0x3: {  	_ = 	snop  }
0x4: {  	_ = 	snop  }
0x5: {  	_ = 	snop  }
0x6: {  	_ = 	snop  }
0x7: {  	_ = 	snop  }
__scs_overlays_trampoline_lowered:
0x8: {  	[smem:$0x3FAA] =	sst s0  }
0x9: {  	[smem:$0x3FAB] =	sst s1  }
0xa: {  	[smem:$0x3FAC] =	sst s2  }
0xb: {  	[smem:$0x3FAD] =	sst s3  }
0xc: {  	[smem:$0x3FAE] =	sst s4  }
0xd: {  	[smem:$0x3FAF] =	sst s5  }
0xe: {  	[smem:$0x3FB0] =	sst s6  }
0xf: {  	[smem:$0x3FB1] =	sst s7  }
0x10: {  	[smem:$0x3FB2] =	sst s8  }
0x11: {  	[smem:$0x3FB3] =	sst s9;
	s0 =	simm.s32 @!p0 $0x0  }
0x12: {  	s1 =	sld [smem:$0x3F99];
	s0 =	simm.s32 @p0 $0x1  }
0x13: {  	[smem:$0x3FB4] =	sst s0;
	s0 =	simm.s32 @!p1 $0x0  }
0x14: {  	s2 =	sld [smem:$0x3F98];
	s0 =	simm.s32 @p1 $0x1  }
0x15: {  	[smem:$0x3FB5] =	sst s0;
	s0 =	simm.s32 @!p2 $0x0  }
0x16: {  	s3 =	sld [smem:$0x3FDB];
	s0 =	simm.s32 @p2 $0x1  }
0x17: {  	s4 =	simm.s32 $0x1BF5;
	[smem:$0x3FB7] =	sst s0  }
0x18: {  	s0 =	sld [smem:$0x3F9A];
	_ =	swait.ge [sflag:s4], $0x0  }
0x19: {  	s7 =	sld [smem:$0x3F9B]  }
0x1a: {  	s8 =	sadd.s32 $0xFFFFE003, lr  }
0x1b: {  	s9 =	sadd.s32 $0xFFFFFEF7, lr;
	s5 =	simm.s32 $0xFFFFFFFF;
	p2 =	slt.u32 s8, $0xFFFFF086  }
0x1c: {  	p1 =	slt.u32 s9, $0xF7A;
	s5 =	simm.s32 @!p2 $0x0  }
0x1d: {  	s5 =	simm.s32 @p1 $0x1;
	p0 =	seq.s32 s7, s2  }
0x1e: {  	s7 =	smul.u32 @!p0 $0xF7A, s2;
	p2 =	seq.s32 @!p0 s5, $0x0  }
0x1f: {  	s9 =	smul.u32 $0xF7A, s1;
	s8 =	simm.s32 @!p0 $0x1BF5;
	p2 =	por !p2, p0  }
0x20: {  	[sflag:s8] =	ssyncset.s32 @!p0 $0xFFFFF086;
	s6 =	sadd.s32 @!p0 s3, s7;
	s7 =	simm.s32 @!p0 $0x108  }
0x21: {  	s3 =	sadd.s32 s3, s9;
	s6 =	sadd.s32 @!p0 $0x88, s6;
	s7 =	simm.s32 @p2 $0x1082  }
0x22: {  	[simem:s7], [sflag:s8] =	dma.local @!p0 [hbm:s6], $0xF7A  }
0x23: {  	s9 =	sor.u32 $0xD0000000, s2;
	s6 =	simm.s32 $0x108;
	_ =	swait.ge @!p0 [sflag:s8], $0x0  }
0x24: {  	s3 =	sadd.s32 $0x88, s3;
	s6 =	simm.s32 @!p1 $0x1082;
	[sflag:s4] =	ssyncset.s32 $0xFFFFF086  }
0x25: {  	[simem:s6], [sflag:s4] =	dma.local [hbm:s3], $0xF7A  }
0x26: {  	[smem:$0x3F9B] =	sst s1;
	(tag) =	ssettag s2;
	_ =	strace s9  }
0x27: {  	s1 =	sld [smem:$0x3FAB]  }
0x28: {  	s2 =	sld [smem:$0x3FAC]  }
0x29: {  	s4 =	sld [smem:$0x3FAE]  }
0x2a: {  	p0 =	seq.s32 s5, $0x0;
	s5 =	sld [smem:$0x3FAF]  }
0x2b: {  	s6 =	sld [smem:$0x3FB0]  }
0x2c: {  	s7 =	sld [smem:$0x3FB1]  }
0x2d: {  	s3 =	simm.s32 $0x108;
	s8 =	sld [smem:$0x3FB2]  }
0x2e: {  	s3 =	simm.s32 @!p0 $0x1082;
	s9 =	sld [smem:$0x3FB3]  }
0x2f: {  	lr =	sadd.s32 s0, s3;
	s0 =	sld [smem:$0x3FAA]  }
0x30: {  	s3 =	sld [smem:$0x3FAD]  }
0x31: {  	[smem:$0x3FB6] =	sst s10  }
0x32: {  	s10 =	sld [smem:$0x3FB4];
	_ =	sdelay $0x3  }
0x33: {  	p0 =	seq.s32 s10, $0x1;
	s10 =	sld [smem:$0x3FB6];
	_ =	sdelay $0x3  }
0x34: {  	[smem:$0x3FB6] =	sst s10  }
0x35: {  	s10 =	sld [smem:$0x3FB5];
	_ =	sdelay $0x3  }
0x36: {  	p1 =	seq.s32 s10, $0x1;
	s10 =	sld [smem:$0x3FB6];
	_ =	sdelay $0x3  }
0x37: {  	[smem:$0x3FB6] =	sst s10  }
0x38: {  	s10 =	sld [smem:$0x3FB7]  }
0x39: {  	_ = 	snop;
	(pc) =	sbr.ind lr, $3  }
0x3a: {  	_ = 	snop  }
0x3b: {  	_ = 	snop  }
0x3c: {  	p2 =	seq.s32 s10, $0x1;
	s10 =	sld [smem:$0x3FB6]  }
0x3d: {  	_ =	shalt  }
0x3e: {  	_ =	shalt  }
0x3f: {  	_ =	shalt  }
0x40: {  	_ =	shalt  }
0x41: {  	_ =	shalt  }
0x42: {  	_ =	shalt  }
0x43: {  	_ =	shalt  }
0x44: {  	_ =	shalt  }
0x45: {  	_ =	shalt  }
0x46: {  	_ =	shalt  }
0x47: {  	_ =	shalt  }
0x48: {  	_ =	shalt  }
0x49: {  	_ =	shalt  }
0x4a: {  	_ =	shalt  }
0x4b: {  	_ =	shalt  }
0x4c: {  	_ =	shalt  }
0x4d: {  	_ =	shalt  }
0x4e: {  	_ =	shalt  }
0x4f: {  	_ =	shalt  }
0x50: {  	_ =	shalt  }
0x51: {  	_ =	shalt  }
0x52: {  	_ =	shalt  }
0x53: {  	_ =	shalt  }
0x54: {  	_ =	shalt  }
0x55: {  	_ =	shalt  }
0x56: {  	_ =	shalt  }
0x57: {  	_ =	shalt  }
0x58: {  	_ =	shalt  }
0x59: {  	_ =	shalt  }
0x5a: {  	_ =	shalt  }
0x5b: {  	_ =	shalt  }
0x5c: {  	_ =	shalt  }
0x5d: {  	_ =	shalt  }
0x5e: {  	_ =	shalt  }
0x5f: {  	_ =	shalt  }
0x60: {  	_ =	shalt  }
0x61: {  	_ =	shalt  }
0x62: {  	_ =	shalt  }
0x63: {  	_ =	shalt  }
0x64: {  	_ =	shalt  }
0x65: {  	_ =	shalt  }
0x66: {  	_ =	shalt  }
0x67: {  	_ =	shalt  }
0x68: {  	_ =	shalt  }
0x69: {  	_ =	shalt  }
0x6a: {  	_ =	shalt  }
0x6b: {  	_ =	shalt  }
0x6c: {  	_ =	shalt  }
0x6d: {  	_ =	shalt  }
0x6e: {  	_ =	shalt  }
0x6f: {  	_ =	shalt  }
0x70: {  	_ =	shalt  }
0x71: {  	_ =	shalt  }
0x72: {  	_ =	shalt  }
0x73: {  	_ =	shalt  }
0x74: {  	_ =	shalt  }
0x75: {  	_ =	shalt  }
0x76: {  	_ =	shalt  }
0x77: {  	_ =	shalt  }
0x78: {  	_ =	shalt  }
0x79: {  	_ =	shalt  }
0x7a: {  	_ =	shalt  }
0x7b: {  	_ =	shalt  }
0x7c: {  	_ =	shalt  }
0x7d: {  	_ =	shalt  }
0x7e: {  	_ =	shalt  }
0x7f: {  	_ =	shalt  }
0x80: {  	_ =	shalt  }
0x81: {  	_ =	shalt  }
0x82: {  	_ =	shalt  }
0x83: {  	_ =	shalt  }
0x84: {  	_ =	shalt  }
0x85: {  	_ =	shalt  }
0x86: {  	_ =	shalt  }
0x87: {  	_ =	shalt  }
.Lfunc_end0:
.L_simem_size_0:
called_computation_lowered:
.L_overlay_start_0:
0x88: {  	s2 =	sld [smem:$0x3FD9]  }
0x89: {  	s3 =	sld [smem:$0x3FFE];
	_ =	sdelay $0x1  }
0x8a: {  	s1 =	srdreg.scid  }
0x8b: {  	s0 =	sand.u32 $0x1, s1  }
0x8c: {  	s18 =	sshll.u32 s0, $0xA;
	s2 =	sadd.s32 s3, s2  }
0x8d: {  	s2 =	sadd.s32 s2, s18  }
0x8e: {  	[smem:$0x3FC2] =	sst s2  }
0x8f: {  	_ = 	snop  }
0x90: {  	s2 =	sld [smem:$0x3FC6]  }
0x91: {  	s19 =	sld [smem:$0x3FD0];
	(tm) =	ssettm $0x1  }
0x92: {  	s4 =	sld [smem:$0x3FFB];
	_ =	sdelay $0x3  }
0x93: {  	_ =	strace s4  }
0x94: {  	s4 =	sld [smem:$0x3FFC];
	_ =	sdelay $0x3  }
0x95: {  	_ =	strace s4  }
0x96: {  	s4 =	sld [smem:$0x3FFD];
	_ =	sdelay $0x3  }
0x97: {  	_ =	strace s4  }
0x98: {  	_ =	strace $0x8FFFFFFF  }
0x99: {  	s20 =	sld [smem:$0x3FDB];
	_ =	sdelay $0x1  }
0x9a: {  	s5 =	simm.s32 $_scs_section_size  }
0x9b: {  	s6 =	simm.s32 $_size__tile_overlayer_lowered;
	s7 =	simm.s32 $_tile_overlayer_lowered  }
0x9c: {  	s23 =	simm.s32 $0x1BFF;
	s22 =	sshll.u32 s7, $0x1;
	s4 =	sadd.s32 s5, s20  }
0x9d: {  	s8 =	simm.s32 $0x0;
	s21 =	sshll.u32 s6, $0x1;
	s6 =	sadd.s32 s22, s4  }
0x9e: {  	[timem:s8], [sflag:s23] =	dma.local [hbm:s6], s21  }
0x9f: {  	_ =	swait.ge [sflag:s23], s21  }
0xa0: {  	s5 =	ssub.s32 $0x0, s21;
	[sflag:s23] =	ssyncset.done $0x0  }
0xa1: {  	[sflag:s23] =	ssyncadd.s32 s5;
	_ =	sdelay $0x1  }
0xa2: {  	s24 =	simm.s32 $0x1B8B  }
0xa3: {  	_ =	swait.ge [sflag:s24], $0x1  }
0xa4: {  	[sflag:s24] =	ssyncset.done $0x0  }
0xa5: {  	s25 =	simm.s32 $0x1B8E;
	[sflag:s24] =	ssyncadd.s32 $0xFFFFFFFF  }
0xa6: {  	s26 =	simm.s32 $execute0_lowered;
	[smem:$0x3FD2] =	sst s25  }
0xa7: {  	s5 =	sshll.u32 s26, $0x1;
	_ =	strace $0x80000046;
	[dreg:$0x1] =	wrdreg $0xFFFFFFFF  }
0xa8: {  	s28 =	simm.s32 $_size_execute0_lowered;
	s4 =	sadd.s32 s4, s5;
	[dreg:$0x0] =	wrdreg $0x0  }
0xa9: {  	s5 =	sshll.u32 s28, $0x1;
	[dreg:$0x2] =	wrdreg s4  }
0xaa: {  	[dreg:$0x3] =	wrdreg s5  }
0xab: {  	[dreg:$0x4] =	wrdreg $0xC0  }
0xac: {  	_ =	task [dreg:s8], $0x5FFFF  }
0xad: {  	[dreg:$0x1] =	wrdreg $0xFFFFFFFF  }
0xae: {  	[dreg:$0x0] =	wrdreg $0x60  }
0xaf: {  	[dreg:$0x2] =	wrdreg s2  }
0xb0: {  	[dreg:$0x3] =	wrdreg s19  }
0xb1: {  	[dreg:$0x4] =	wrdreg $0x9  }
0xb2: {  	_ =	task.clear_ibuf [dreg:s8], $0x5FFFF;
	_ =	strace $0x90000046  }
0xb3: {  	s29 =	simm.s32 $0x9;
	_ =	strace $0x80000048  }
0xb4: {  	_ =	swait.ge [sflag:s29], $0x1  }
0xb5: {  	[sflag:s29] =	ssyncadd.s32 $0xFFFFFFFF  }
0xb6: {  	_ =	strace $0x90000048  }
0xb7: {  	_ =	sfence  }
0xb8: {  	s30 =	sld [smem:$0x0];
	_ =	sdelay $0x2  }
0xb9: {  	s31 =	sshll.u32 s1, $0xD;
	s1 =	sshrl.u32 s1, $0x2  }
0xba: {  	s3 =	sand.u32 $0x4000, s31;
	s1 =	sadd.s32 s1, s30  }
0xbb: {  	s0 =	sor.u32 s3, s0;
	s1 =	sshll.u32 s1, $0x11  }
0xbc: {  	s0 =	sor.u32 s1, s0  }
0xbd: {  	s0 =	sadd.s32 $0x8F2B, s0  }
0xbe: {  	[sflag:s0] =	ssyncadd.remote.s32 $0x1  }
0xbf: {  	_ =	sfence.sel $0xFFFF  }
0xc0: {  	[dreg:$0x0] =	wrdreg $0xFFFFFFFF;
	(pc) =	sbr.abs _section_cstart, $3  }
0xc1: {  	[dreg:$0x1] =	wrdreg $0xFFFFFFFF  }
0xc2: {  	_ =	task.clear_ibuf [dreg:s8], $0x2FFFF;
	_ =	strace $0x9FFFFFFF  }
0xc3: {  	(tm) =	ssettm $0x7FFFFFFF  }
tec
execute0_lowered:
.L_overlay_start_1:
0x0: {  	(tag) =	ssettag $0x1  }
0x1: {  	s2 =	rddreg [dreg:$0x0];
	s1 =	srdreg.scid  }
0x2: {  	s0 =	stileid.u32;
	s3 =	rddreg [dreg:$0x1]  }
0x3: {  	s4 =	simm.s32 $0x0;
	s10 =	simm.s32 $0x12C00;
	s11 =	simm.s32 $0x2  }
0x4: {  	s12 =	simm.s32 $0xC800;
	s13 =	simm.s32 $0x0;
	s6 =	sand.u32 $0x1, s1  }
.Ltmp0:
0x5: {  	s5 =	sshll.u32 s0, $0x1;
	s1 =	rddreg [dreg:$0x2];
	(pc) =	sbr.rel .LBB2_1-.Ltmp0, $4  }
0x6: {  	[smem:$0x7FF] =	sst s4;
	s5 =	sor.u32 s6, s5;
	s6 =	ssub.s32 $0x2, s6  }
0x7: {  	s7 =	smul.u32 $0xC80, s5;
	s8 =	sshrl.u32 s6, $0x1;
	s9 =	ssub.s32 $0x12B, s5  }
0x8: {  	v0 =	vlaneseq.u32;
	_ =	strace $0x80000047;
	s8 =	ssub.s32 s6, s8;
	s6 =	sshrl.u32 s9, $0x5  }
0x9: {  	v0 =	vmul.u32 $0x8, v0;
	s9 =	simm.s32 $0x1;
	s7 =	sadd.s32 s2, s7;
	s8 =	smax.u32 s8, $0x1  }
.LBB2_10:
0xa: {  	s13 =	sadd.s32 $0x1, s13  }
0xb: {  	_ =	swait.ge [sflag:s11], $0x6400;
	p0 =	sne.s32 s13, s8  }
.Ltmp1:
0xc: {  	[sflag:s11] =	ssyncset.done $0x0;
	(pc) =	sbr.rel @!p0 .LBB2_11-.Ltmp1, $4  }
0xd: {  	[sflag:s11] =	ssyncadd.s32 $0xFFFF9C00  }
0xe: {  	_ =	swait.ge [sflag:s11], $0x6400  }
0xf: {  	[sflag:s11] =	ssyncset.done $0x0  }
0x10: {  	[sflag:s11] =	ssyncadd.s32 $0xFFFF9C00  }
.LBB2_1:
.Ltmp2:
0x11: {  	(pc) =	sbr.rel .LBB2_2-.Ltmp2, $3  }
0x12: {  	_ =	sdelay $0x1  }
0x13: {  	[tilespmem:s4], [sflag:$0x1] =	stream.linear.gather [hbm4b:s7+s4], $0x6400, $0x38;
	[tilespmem:$0x19000] =	vst v63  }
0x14: {  	s14 =	simm.s32 $0x0  }
.LBB2_9:
0x15: {  	s17 =	sshll.u32 s14, $0x5  }
0x16: {  	s16 =	smul.u32 $0x19000, s16;
	s17 =	sor.u32 s5, s17  }
0x17: {  	p0 =	sne.s32 s14, s6;
	s17 =	smul.u32 $0x6400, s17  }
.Ltmp3:
0x18: {  	_ = 	snop;
	(pc) =	sbr.rel @!p0 .LBB2_10-.Ltmp3, $4  }
0x19: {  	_ = 	snop  }
0x1a: {  	s16 =	sshrl.u32 s16, $0x2;
	s17 =	sshrl.u32 s17, $0x3  }
0x1b: {  	s14 =	smov.u32 s15;
	s16 =	sadd.s32 $0xC800, s16;
	s17 =	sadd.s32 s3, s17  }
0x1c: {  	[hbm4b:s17+s4] =	stream.linear.scatter [tilespmem:s16], [sflag:$0x2], $0x6400, $0x38;
	[tilespmem:$0x19000] =	vst v63  }
.LBB2_2:
0x1d: {  	s15 =	sadd.s32 $0x1, s14;
	p0 =	sge.u32 s14, s6  }
0x1e: {  	s17 =	sshll.u32 @!p0 s15, $0x5  }
0x1f: {  	s16 =	sand.u32 $0x1, s14;
	s17 =	sor.u32 @!p0 s5, s17  }
0x20: {  	s18 =	sxor.u32 @!p0 $0x1, s16;
	s17 =	smul.u32 @!p0 $0x6400, s17  }
0x21: {  	_ =	swait.ge [sflag:s9], $0x6400;
	s18 =	smul.u32 @!p0 $0x19000, s18  }
0x22: {  	[sflag:s9] =	ssyncset.done $0x0;
	s19 =	simm.s32 @!p0 $0x0;
	s17 =	sshrl.u32 @!p0 s17, $0x3  }
0x23: {  	[sflag:s9] =	ssyncadd.s32 $0xFFFF9C00;
	s18 =	sshrl.u32 @!p0 s18, $0x2;
	s17 =	sadd.s32 @!p0 s2, s17  }
0x24: {  	[tilespmem:s18], [sflag:$0x1] =	stream.linear.gather @!p0 [hbm4b:s17+s19], $0x6400, $0x38;
	[tilespmem:$0x19000] =	vst v63  }
0x25: {  	p0 =	slt.u32 s14, $0x2  }
0x26: {  	s17 =	simm.s32 @!p0 $0x2  }
0x27: {  	_ =	swait.ge @!p0 [sflag:s17], $0x6400  }
0x28: {  	[sflag:s17] =	ssyncset.done @!p0 $0x0  }
0x29: {  	[sflag:s17] =	ssyncadd.s32 @!p0 $0xFFFF9C00;
	p0 =	seq.s32 s16, $0x1  }
.Ltmp4:
0x2a: {  	_ = 	snop;
	(pc) =	sbr.rel @!p0 .LBB2_3-.Ltmp4, $2  }
0x2b: {  	_ =	sdelay $0x2  }
0x2c: {  	s18 =	simm.s32 $0x0;
	s19 =	simm.s32 $0x0;
	s17 =	simm.s32 $0x0  }
.LBB2_6:
0x2d: {  	s18 =	sshll.u32 s19, $0xA  }
0x2e: {  	s22 =	sand.u32 $0x70, s17;
	s20 =	sand.u32 $0x3FFFFC00, s18;
	s18 =	sshll.u32 s19, $0x7  }
0x2f: {  	s21 =	simm.s32 $0x0;
	s23 =	simm.s32 $0x0;
	s24 =	sor.u32 s18, s22  }
0x30: {  	v1 =	vmov s21;
	s31 =	sand.u32 $0x3FFFFF80, s23;
	s20 =	sadd.s32 $0x6400, s20;
	v2 =	vmov s24  }
0x31: {  	v1 =	vand.u32 $0x7, v1;
	s23 =	sadd.s32 s31, s20;
	v2 =	vshll.u32 v2, $0x3  }
0x32: {  	s21 =	simm.s32 $0x1;
	v1 =	vbroadcast v1, $0x0;
	s23 =	sadd.s32 s22, s23;
	s22 =	simm.s32 $0x0;
	v2 =	vor.u32 v0, v2  }
.LBB2_7:
0x33: {  	s24 =	sshrl.u32 s21, $0x3  }
0x34: {  	v3 =	vld [tilespmem:s23+$0x0];
	v4 =	vor.u32 v1, v2;
	s22 =	sadd.s32 $0x10, s22;
	s23 =	smov.u32 s21;
	p0 =	sne.s32 s21, $0x3F  }
.Ltmp5:
0x35: {  	s21 =	sadd.s32 $0x1, s21;
	s25 =	sand.u32 $0x70, s22;
	(pc) =	sbr.rel @p0 .LBB2_7-.Ltmp5, $4  }
0x36: {  	s23 =	sshll.u32 s23, $0x4;
	v1 =	vmov s24;
	s26 =	sor.u32 s18, s25  }
0x37: {  	s23 =	sand.u32 $0x3FFFFF80, s23;
	v1 =	vand.u32 $0x7, v1;
	v2 =	vmov s26  }
0x38: {  	s23 =	sadd.s32 s23, s20;
	v1 =	vbroadcast v1, $0x0;
	v2 =	vshll.u32 v2, $0x3  }
0x39: {  	s23 =	sadd.s32 s25, s23;
	v2 =	vor.u32 v0, v2;
	[tilespmem:v4+s10+$0x0] =	vst.idx.msk $0xffff, v3  }
0x3a: {  	s19 =	sadd.s32 $0x1, s19  }
0x3b: {  	v3 =	vld [tilespmem:s23+$0x0];
	v1 =	vor.u32 v1, v2;
	p0 =	sne.s32 s19, $0x19  }
.Ltmp6:
0x3c: {  	_ = 	snop;
	(pc) =	sbr.rel @p0 .LBB2_6-.Ltmp6, $4  }
.Ltmp7:
0x3d: {  	_ = 	snop;
	(pc) =	sbr.rel @!p0 .LBB2_9-.Ltmp7, $4  }
0x3e: {  	_ = 	snop  }
0x3f: {  	_ = 	snop  }
0x40: {  	[tilespmem:v1+s10+$0x0] =	vst.idx.msk $0xffff, v3  }
0x41: {  	_ = 	snop  }
.LBB2_3:
0x42: {  	s20 =	sshll.u32 s18, $0xA;
	s19 =	sshll.u32 s18, $0x7;
	s22 =	sand.u32 $0x70, s17  }
0x43: {  	s21 =	simm.s32 $0x0;
	s23 =	simm.s32 $0x0;
	s24 =	sor.u32 s19, s22  }
0x44: {  	s20 =	sand.u32 $0x3FFFFC00, s20;
	v1 =	vmov s21;
	s31 =	sand.u32 $0x3FFFFF80, s23;
	v2 =	vmov s24  }
0x45: {  	v1 =	vand.u32 $0x7, v1;
	s23 =	sadd.s32 s31, s20;
	v2 =	vshll.u32 v2, $0x3  }
0x46: {  	s21 =	simm.s32 $0x1;
	v1 =	vbroadcast v1, $0x0;
	s23 =	sadd.s32 s22, s23;
	s22 =	simm.s32 $0x0;
	v2 =	vor.u32 v0, v2  }
.LBB2_4:
0x47: {  	s24 =	sshrl.u32 s21, $0x3  }
0x48: {  	v3 =	vld [tilespmem:s23+$0x0];
	v4 =	vor.u32 v1, v2;
	s22 =	sadd.s32 $0x10, s22;
	s23 =	smov.u32 s21;
	p0 =	sne.s32 s21, $0x3F  }
.Ltmp8:
0x49: {  	s21 =	sadd.s32 $0x1, s21;
	s25 =	sand.u32 $0x70, s22;
	(pc) =	sbr.rel @p0 .LBB2_4-.Ltmp8, $4  }
0x4a: {  	s23 =	sshll.u32 s23, $0x4;
	v1 =	vmov s24;
	s26 =	sor.u32 s19, s25  }
0x4b: {  	s23 =	sand.u32 $0x3FFFFF80, s23;
	v1 =	vand.u32 $0x7, v1;
	v2 =	vmov s26  }
0x4c: {  	s23 =	sadd.s32 s23, s20;
	v1 =	vbroadcast v1, $0x0;
	v2 =	vshll.u32 v2, $0x3  }
0x4d: {  	s23 =	sadd.s32 s25, s23;
	v2 =	vor.u32 v0, v2;
	[tilespmem:v4+s12+$0x0] =	vst.idx.msk $0xffff, v3  }
0x4e: {  	s18 =	sadd.s32 $0x1, s18  }
0x4f: {  	v3 =	vld [tilespmem:s23+$0x0];
	v1 =	vor.u32 v1, v2;
	p0 =	seq.s32 s18, $0x19  }
.Ltmp9:
0x50: {  	_ = 	snop;
	(pc) =	sbr.rel @!p0 .LBB2_3-.Ltmp9, $4  }
.Ltmp10:
0x51: {  	_ = 	snop;
	(pc) =	sbr.rel @p0 .LBB2_9-.Ltmp10, $4  }
0x52: {  	_ = 	snop  }
0x53: {  	_ = 	snop  }
0x54: {  	[tilespmem:v1+s12+$0x0] =	vst.idx.msk $0xffff, v3  }
0x55: {  	_ = 	snop  }
.LBB2_11:
0x56: {  	_ =	sfence.sel $0x180000  }
0x57: {  	[bflag:$0x0] =	sbarrier.arrive $0xFFFF  }
0x58: {  	p0 =	sne.s32 s0, $0x0;
	_ =	strace $0x90000047  }
0x59: {  	s0 =	sadd.s32 @!p0 $0x100000, s1;
	[bflag:$0x2] =	sbarrier.arrive $0xFFFF  }
0x5a: {  	[sflag:s0] =	ssyncadd.tile.s32 @!p0 $0x1;
	_ =	shalt  }
.Lfunc_end2:
_tile_overlayer_lowered:
.L_overlay_start_2:
0x5b: {  	(tag) =	ssettag $0x2  }
0x5c: {  	s0 =	rddreg [dreg:$0x0];
	s2 =	stileid.u32  }
0x5d: {  	s1 =	rddreg [dreg:$0x1];
	p0 =	sne.s32 s2, $0x0  }
0x5e: {  	s3 =	rddreg [dreg:$0x2];
	[bflag:$0x3] =	sbarrier.arrive $0xFFFF;
	s2 =	simm.s32 @!p0 $0x1C03  }
0x5f: {  	[timem:s3], [sflag:s2] =	dma.local @!p0 [hbm:s0], s1  }
0x60: {  	s0 =	simm.s32 @!p0 $0x3  }
0x61: {  	_ =	swait.ge @!p0 [sflag:s0], s1  }
0x62: {  	s1 =	ssub.s32 @!p0 $0x0, s1;
	[sflag:s0] =	ssyncset.done @!p0 $0x0  }
0x63: {  	[sflag:s0] =	ssyncadd.s32 @!p0 s1  }
0x64: {  	[bflag:$0x3] =	sbarrier.arrive $0xFFFF  }
0x65: {  	_ =	shalt  }

</sc_bundles>
